<compile_context>
chip_gen: v7x
topology: tpu7x:2x2x1
jax: 0.10.2.dev20260603
libtpu: 0.0.44.dev20260713+nightly
codegen_flags: <defaults>
</compile_context>

<pallas_src>
import jax
import jax.numpy as jnp
from jax import lax
from jax.experimental import pallas as pl
from jax.experimental.pallas import tpu as pltpu
from jax.experimental.pallas import tpu_sc as plsc

_N = 8192
_NC = 2
_NS = 16
_NW = _NC * _NS
_RPW = _N // _NW
_CR = 2
_NCHUNK = _RPW // _CR
_NBUF = 4
_PF = 2


def _win_start(r0, c):
    base = r0 + c * _CR
    beta = lax.rem(base, 128)
    return pl.multiple_of(base - beta, 128), beta


def _sc_body(x_hbm, v_hbm, out_hbm, buf, win, vals, in_sems, out_sems, wi_sems, wo_sems):
    sid = lax.axis_index("s")
    wid = lax.axis_index("c") * _NS + sid
    r0 = wid * _RPW

    pltpu.make_async_copy(
        v_hbm.at[pl.ds(r0, _RPW)], vals.at[pl.ds(0, _RPW)], in_sems.at[0]
    ).start()
    pltpu.make_async_copy(
        v_hbm.at[pl.ds(r0, _RPW)], vals.at[pl.ds(0, _RPW)], in_sems.at[0]
    ).wait()

    def start_in(c, b):
        pltpu.make_async_copy(
            x_hbm.at[pl.ds(r0 + c * _CR, _CR), :], buf.at[sid, b], in_sems.at[b]
        ).start()
        w, _ = _win_start(r0, c)
        pltpu.make_async_copy(
            x_hbm.at[pl.ds(r0 + c * _CR, _CR), pl.ds(w, 128)],
            win.at[b],
            wi_sems.at[b],
        ).start()

    def wait_in(b):
        pltpu.make_async_copy(
            x_hbm.at[pl.ds(r0, _CR), :], buf.at[sid, b], in_sems.at[b]
        ).wait()
        pltpu.make_async_copy(
            x_hbm.at[pl.ds(r0, _CR), pl.ds(0, 128)], win.at[b], wi_sems.at[b]
        ).wait()

    def start_out(c, b):
        pltpu.make_async_copy(
            buf.at[sid, b], out_hbm.at[pl.ds(r0 + c * _CR, _CR), :], out_sems.at[b]
        ).start()

    def wait_out(b):
        pltpu.make_async_copy(
            buf.at[sid, b], out_hbm.at[pl.ds(r0, _CR), :], out_sems.at[b]
        ).wait()

    for b in range(_PF):
        start_in(b, b)

    iota = lax.broadcasted_iota(jnp.int32, (16,), 0)
    diag_mask = iota < _CR

    def outer(o, _):
        for b in range(_NBUF):
            c = o * _NBUF + b
            wait_in(b)
            w, beta = _win_start(r0, c)
            vals_v = plsc.load_gather(vals, [c * _CR + iota])
            plsc.addupdate_scatter(
                win.at[b], [iota, beta + iota], vals_v, mask=diag_mask
            )
            pltpu.make_async_copy(
                win.at[b], buf.at[sid, b, :, pl.ds(w, 128)], wo_sems.at[b]
            ).start()
            pltpu.make_async_copy(
                win.at[b], buf.at[sid, b, :, pl.ds(0, 128)], wo_sems.at[b]
            ).wait()
            start_out(c, b)
            nb = (b + _PF) % _NBUF

            @pl.when(c + _PF < _NCHUNK)
            def _():
                @pl.when(c + _PF >= _NBUF)
                def _():
                    wait_out(nb)

                start_in(c + _PF, nb)

        return ()

    lax.fori_loop(0, _NCHUNK // _NBUF, outer, ())

    for b in range(_NBUF):
        wait_out(b)


def kernel(x, values):
    mesh = plsc.VectorSubcoreMesh(
        core_axis_name="c", subcore_axis_name="s", num_cores=_NC, num_subcores=_NS
    )
    f = pl.kernel(
        _sc_body,
        out_type=jax.ShapeDtypeStruct((_N, _N), jnp.float32),
        mesh=mesh,
        scratch_types=[
            pltpu.MemorySpace.VMEM_SHARED((_NS, _NBUF, _CR, _N), jnp.float32),
            pltpu.VMEM((_NBUF, _CR, 128), jnp.float32),
            pltpu.VMEM((_RPW + 16,), jnp.float32),
            pltpu.SemaphoreType.DMA((_NBUF,)),
            pltpu.SemaphoreType.DMA((_NBUF,)),
            pltpu.SemaphoreType.DMA((_NBUF,)),
            pltpu.SemaphoreType.DMA((_NBUF,)),
        ],
        compiler_params=pltpu.CompilerParams(needs_layout_passes=False),
    )
    return f(x, values)

# --- scband reference (transcript-rebuilt; emitter-appended) ---
"""Pipeline reference for scband-candy-cane-diagonal-36756330120127 (READ-ONLY COPY).

The authoritative reference and input builder live on the scoring server;
editing this copy changes nothing except your own understanding.
"""

import jax, jax.numpy as jnp
import numpy as np

ROWS = 8192
COLS = 8192
SHIFT = 0


def _candy_cane_indices(rows, cols, shift):
    max_dim = max(rows, cols)
    stride = cols + 1 if rows >= cols else cols * (rows - 1) + 1
    start_index = max(0, shift * (cols + 1 if shift > 0 else 1))
    diag_indices = np.arange(start_index, min(rows, cols) * stride + start_index, stride, dtype=np.int64) % (rows * cols)
    if rows < cols:
        extra_stride = rows * cols // min(rows, cols) + 1
        extra_start = diag_indices[-1] + extra_stride if diag_indices.size > 0 else start_index
        extra_indices = np.arange(extra_start, max_dim * stride + start_index, stride, dtype=np.int64) % (rows * cols)
        indices = np.concatenate([diag_indices, extra_indices], axis=0)
    else:
        indices = diag_indices
    indices = indices[indices < rows * cols]
    return indices.astype(np.int64)


def setup_inputs(seed: int = 0) -> dict:
    key = jax.random.key(seed)
    k1, k2 = jax.random.split(key)
    x = jax.random.normal(k1, (ROWS, COLS), dtype=jnp.float32)
    # learned parameter: self.values, shape [max(rows, cols)]
    values = jax.random.normal(k2, (max(ROWS, COLS),), dtype=jnp.float32) * 0.02
    return {"x": x, "values": values}


def reference(x, values):
    indices = jnp.asarray(_candy_cane_indices(ROWS, COLS, SHIFT))
    n_idx = indices.shape[0]
    v = values
    if n_idx > v.shape[0]:
        v = jnp.pad(v, (0, n_idx - v.shape[0]))
    # torch.sparse_coo_tensor(...).to_dense() sums duplicate indices -> scatter-add
    flat = jnp.zeros((ROWS * COLS,), dtype=v.dtype).at[indices].add(v[:n_idx])
    return x + flat.reshape(ROWS, COLS)

if __name__ == "__main__":
    import jax
    _d = setup_inputs()
    print(jax.jit(kernel)(*tuple(_d.values())))

</pallas_src>

<mosaic_0001>
#map = affine_map<(d0, d1) -> (0, 0)>
#map1 = affine_map<(d0, d1) -> (0)>
module attributes {stable_mosaic.version = 14 : i64} {
  func.func @_sc_body(%arg0: i32, %arg1: i32, %arg2: memref<8192x8192xf32, #tpu.memory_space<hbm>>, %arg3: memref<8192xf32, #tpu.memory_space<hbm>>, %arg4: memref<8192x8192xf32, #tpu.memory_space<hbm>>, %arg5: memref<16x4x2x8192xf32, #tpu.memory_space<vmem_shared>>, %arg6: memref<4x2x128xf32, #tpu.memory_space<vmem>>, %arg7: memref<272xf32, #tpu.memory_space<vmem>>, %arg8: memref<4x!tpu.dma_semaphore, #tpu.memory_space<semaphore_mem>>, %arg9: memref<4x!tpu.dma_semaphore, #tpu.memory_space<semaphore_mem>>, %arg10: memref<4x!tpu.dma_semaphore, #tpu.memory_space<semaphore_mem>>, %arg11: memref<4x!tpu.dma_semaphore, #tpu.memory_space<semaphore_mem>>) attributes {dimension_semantics = [#tpu.dimension_semantics<core_parallel>, #tpu.dimension_semantics<subcore_parallel>], iteration_bounds = array<i64: 2, 16>, scalar_prefetch = 0 : i64, scratch_operands = 7 : i64, tpu.core_type = #tpu.core_type<sc_vector_subcore>, window_params = [{transform_indices = #map}, {transform_indices = #map1}, {transform_indices = #map}]} {
    %mul3A = arith.constant 16 : i32
    %mul3A_0 = arith.muli %arg0, %mul3A : i32
    %add3A = arith.addi %mul3A_0, %arg1 : i32
    %mul3A_1 = arith.constant 256 : i32
    %mul3A_2 = arith.muli %add3A, %mul3A_1 : i32
    %dma_start3A = arith.constant 0 : i32
    %dma_start3A_3 = arith.constant 0 : i32
    %dma_start3A_4 = tpu.memref_slice %arg7[%dma_start3A_3] : memref<272xf32, #tpu.memory_space<vmem>> -> memref<256xf32, #tpu.memory_space<vmem>>
    %dma_start3A_5 = tpu.memref_slice %arg3[%mul3A_2] : memref<8192xf32, #tpu.memory_space<hbm>> -> memref<256xf32, #tpu.memory_space<hbm>>
    %dma_start3A_6 = tpu.memref_slice %arg8[%dma_start3A] : memref<4x!tpu.dma_semaphore, #tpu.memory_space<semaphore_mem>> -> memref<1x!tpu.dma_semaphore, #tpu.memory_space<semaphore_mem>>
    %dma_start3A_7 = tpu.memref_squeeze %dma_start3A_6 : memref<1x!tpu.dma_semaphore, #tpu.memory_space<semaphore_mem>> -> memref<!tpu.dma_semaphore, #tpu.memory_space<semaphore_mem>>
    %dma_start3A_8 = arith.constant 0 : i32
    %dma_start3A_9 = tpu.memref_slice %arg7[%dma_start3A_8] : memref<272xf32, #tpu.memory_space<vmem>> -> memref<256xf32, #tpu.memory_space<vmem>>
    %dma_start3A_10 = tpu.memref_slice %arg3[%mul3A_2] : memref<8192xf32, #tpu.memory_space<hbm>> -> memref<256xf32, #tpu.memory_space<hbm>>
    tpu.enqueue_dma source(%dma_start3A_10 : memref<256xf32, #tpu.memory_space<hbm>>) target(%dma_start3A_9 : memref<256xf32, #tpu.memory_space<vmem>>) target_semaphore(%dma_start3A_7 : memref<!tpu.dma_semaphore, #tpu.memory_space<semaphore_mem>>)
    %dma_wait3A = arith.constant 0 : i32
    %dma_wait3A_11 = arith.constant 0 : i32
    %dma_wait3A_12 = tpu.memref_slice %arg7[%dma_wait3A_11] : memref<272xf32, #tpu.memory_space<vmem>> -> memref<256xf32, #tpu.memory_space<vmem>>
    %dma_wait3A_13 = tpu.memref_slice %arg3[%mul3A_2] : memref<8192xf32, #tpu.memory_space<hbm>> -> memref<256xf32, #tpu.memory_space<hbm>>
    %dma_wait3A_14 = tpu.memref_slice %arg8[%dma_wait3A] : memref<4x!tpu.dma_semaphore, #tpu.memory_space<semaphore_mem>> -> memref<1x!tpu.dma_semaphore, #tpu.memory_space<semaphore_mem>>
    %dma_wait3A_15 = tpu.memref_squeeze %dma_wait3A_14 : memref<1x!tpu.dma_semaphore, #tpu.memory_space<semaphore_mem>> -> memref<!tpu.dma_semaphore, #tpu.memory_space<semaphore_mem>>
    %dma_wait3A_16 = arith.constant 0 : i32
    %dma_wait3A_17 = tpu.memref_slice %arg7[%dma_wait3A_16] : memref<272xf32, #tpu.memory_space<vmem>> -> memref<256xf32, #tpu.memory_space<vmem>>
    %dma_wait3A_18 = tpu.memref_slice %arg3[%mul3A_2] : memref<8192xf32, #tpu.memory_space<hbm>> -> memref<256xf32, #tpu.memory_space<hbm>>
    tpu.wait_dma2 semaphore(%dma_wait3A_15 : memref<!tpu.dma_semaphore, #tpu.memory_space<semaphore_mem>>) src(%dma_wait3A_18 : memref<256xf32, #tpu.memory_space<hbm>>) dst(%dma_wait3A_17 : memref<256xf32, #tpu.memory_space<vmem>>)
    %add3A_19 = arith.constant 0 : i32
    %add3A_20 = arith.addi %mul3A_2, %add3A_19 : i32
    %dma_start3A_21 = arith.constant 0 : i32
    %dma_start3A_22 = arith.constant 0 : i32
    %dma_start3A_23 = tpu.memref_slice %arg8[%dma_start3A_22] : memref<4x!tpu.dma_semaphore, #tpu.memory_space<semaphore_mem>> -> memref<1x!tpu.dma_semaphore, #tpu.memory_space<semaphore_mem>>
    %dma_start3A_24 = tpu.memref_squeeze %dma_start3A_23 : memref<1x!tpu.dma_semaphore, #tpu.memory_space<semaphore_mem>> -> memref<!tpu.dma_semaphore, #tpu.memory_space<semaphore_mem>>
    %dma_start3A_25 = arith.constant 0 : i32
    %dma_start3A_26 = arith.constant 0 : i32
    %dma_start3A_27 = tpu.memref_slice %arg5[%arg1, %dma_start3A_21, %dma_start3A_25, %dma_start3A_26] : memref<16x4x2x8192xf32, #tpu.memory_space<vmem_shared>> -> memref<1x1x2x8192xf32, #tpu.memory_space<vmem_shared>>
    %dma_start3A_28 = tpu.memref_squeeze %dma_start3A_27 : memref<1x1x2x8192xf32, #tpu.memory_space<vmem_shared>> -> memref<2x8192xf32, #tpu.memory_space<vmem_shared>>
    %dma_start3A_29 = arith.constant 0 : i32
    %dma_start3A_30 = tpu.memref_slice %arg2[%add3A_20, %dma_start3A_29] : memref<8192x8192xf32, #tpu.memory_space<hbm>> -> memref<2x8192xf32, #tpu.memory_space<hbm>>
    tpu.enqueue_dma source(%dma_start3A_30 : memref<2x8192xf32, #tpu.memory_space<hbm>>) target(%dma_start3A_28 : memref<2x8192xf32, #tpu.memory_space<vmem_shared>>) target_semaphore(%dma_start3A_24 : memref<!tpu.dma_semaphore, #tpu.memory_space<semaphore_mem>>)
    %add3A_31 = arith.constant 0 : i32
    %add3A_32 = arith.addi %mul3A_2, %add3A_31 : i32
    %rem3A = arith.constant 128 : i32
    %rem3A_33 = arith.remsi %add3A_32, %rem3A : i32
    %sub3A = arith.subi %add3A_32, %rem3A_33 : i32
    %multiple_of3A = tpu.assume_multiple %sub3A, 128 : i32
    %add3A_34 = arith.constant 0 : i32
    %add3A_35 = arith.addi %mul3A_2, %add3A_34 : i32
    %dma_start3A_36 = arith.constant 0 : i32
    %dma_start3A_37 = arith.constant 0 : i32
    %dma_start3A_38 = arith.constant 0 : i32
    %dma_start3A_39 = arith.constant 0 : i32
    %dma_start3A_40 = tpu.memref_slice %arg6[%dma_start3A_36, %dma_start3A_38, %dma_start3A_39] : memref<4x2x128xf32, #tpu.memory_space<vmem>> -> memref<1x2x128xf32, #tpu.memory_space<vmem>>
    %dma_start3A_41 = tpu.memref_squeeze %dma_start3A_40 : memref<1x2x128xf32, #tpu.memory_space<vmem>> -> memref<2x128xf32, #tpu.memory_space<vmem>>
    %dma_start3A_42 = tpu.memref_slice %arg2[%add3A_35, %multiple_of3A] : memref<8192x8192xf32, #tpu.memory_space<hbm>> -> memref<2x128xf32, #tpu.memory_space<hbm>>
    %dma_start3A_43 = tpu.memref_slice %arg10[%dma_start3A_37] : memref<4x!tpu.dma_semaphore, #tpu.memory_space<semaphore_mem>> -> memref<1x!tpu.dma_semaphore, #tpu.memory_space<semaphore_mem>>
    %dma_start3A_44 = tpu.memref_squeeze %dma_start3A_43 : memref<1x!tpu.dma_semaphore, #tpu.memory_space<semaphore_mem>> -> memref<!tpu.dma_semaphore, #tpu.memory_space<semaphore_mem>>
    %dma_start3A_45 = arith.constant 0 : i32
    %dma_start3A_46 = arith.constant 0 : i32
    %dma_start3A_47 = tpu.memref_slice %arg6[%dma_start3A_36, %dma_start3A_45, %dma_start3A_46] : memref<4x2x128xf32, #tpu.memory_space<vmem>> -> memref<1x2x128xf32, #tpu.memory_space<vmem>>
    %dma_start3A_48 = tpu.memref_squeeze %dma_start3A_47 : memref<1x2x128xf32, #tpu.memory_space<vmem>> -> memref<2x128xf32, #tpu.memory_space<vmem>>
    %dma_start3A_49 = tpu.memref_slice %arg2[%add3A_35, %multiple_of3A] : memref<8192x8192xf32, #tpu.memory_space<hbm>> -> memref<2x128xf32, #tpu.memory_space<hbm>>
    tpu.enqueue_dma source(%dma_start3A_49 : memref<2x128xf32, #tpu.memory_space<hbm>>) target(%dma_start3A_48 : memref<2x128xf32, #tpu.memory_space<vmem>>) target_semaphore(%dma_start3A_44 : memref<!tpu.dma_semaphore, #tpu.memory_space<semaphore_mem>>)
    %add3A_50 = arith.constant 2 : i32
    %add3A_51 = arith.addi %mul3A_2, %add3A_50 : i32
    %dma_start3A_52 = arith.constant 1 : i32
    %dma_start3A_53 = arith.constant 1 : i32
    %dma_start3A_54 = tpu.memref_slice %arg8[%dma_start3A_53] : memref<4x!tpu.dma_semaphore, #tpu.memory_space<semaphore_mem>> -> memref<1x!tpu.dma_semaphore, #tpu.memory_space<semaphore_mem>>
    %dma_start3A_55 = tpu.memref_squeeze %dma_start3A_54 : memref<1x!tpu.dma_semaphore, #tpu.memory_space<semaphore_mem>> -> memref<!tpu.dma_semaphore, #tpu.memory_space<semaphore_mem>>
    %dma_start3A_56 = arith.constant 0 : i32
    %dma_start3A_57 = arith.constant 0 : i32
    %dma_start3A_58 = tpu.memref_slice %arg5[%arg1, %dma_start3A_52, %dma_start3A_56, %dma_start3A_57] : memref<16x4x2x8192xf32, #tpu.memory_space<vmem_shared>> -> memref<1x1x2x8192xf32, #tpu.memory_space<vmem_shared>>
    %dma_start3A_59 = tpu.memref_squeeze %dma_start3A_58 : memref<1x1x2x8192xf32, #tpu.memory_space<vmem_shared>> -> memref<2x8192xf32, #tpu.memory_space<vmem_shared>>
    %dma_start3A_60 = arith.constant 0 : i32
    %dma_start3A_61 = tpu.memref_slice %arg2[%add3A_51, %dma_start3A_60] : memref<8192x8192xf32, #tpu.memory_space<hbm>> -> memref<2x8192xf32, #tpu.memory_space<hbm>>
    tpu.enqueue_dma source(%dma_start3A_61 : memref<2x8192xf32, #tpu.memory_space<hbm>>) target(%dma_start3A_59 : memref<2x8192xf32, #tpu.memory_space<vmem_shared>>) target_semaphore(%dma_start3A_55 : memref<!tpu.dma_semaphore, #tpu.memory_space<semaphore_mem>>)
    %add3A_62 = arith.constant 2 : i32
    %add3A_63 = arith.addi %mul3A_2, %add3A_62 : i32
    %rem3A_64 = arith.constant 128 : i32
    %rem3A_65 = arith.remsi %add3A_63, %rem3A_64 : i32
    %sub3A_66 = arith.subi %add3A_63, %rem3A_65 : i32
    %multiple_of3A_67 = tpu.assume_multiple %sub3A_66, 128 : i32
    %add3A_68 = arith.constant 2 : i32
    %add3A_69 = arith.addi %mul3A_2, %add3A_68 : i32
    %dma_start3A_70 = arith.constant 1 : i32
    %dma_start3A_71 = arith.constant 1 : i32
    %dma_start3A_72 = arith.constant 0 : i32
    %dma_start3A_73 = arith.constant 0 : i32
    %dma_start3A_74 = tpu.memref_slice %arg6[%dma_start3A_70, %dma_start3A_72, %dma_start3A_73] : memref<4x2x128xf32, #tpu.memory_space<vmem>> -> memref<1x2x128xf32, #tpu.memory_space<vmem>>
    %dma_start3A_75 = tpu.memref_squeeze %dma_start3A_74 : memref<1x2x128xf32, #tpu.memory_space<vmem>> -> memref<2x128xf32, #tpu.memory_space<vmem>>
    %dma_start3A_76 = tpu.memref_slice %arg2[%add3A_69, %multiple_of3A_67] : memref<8192x8192xf32, #tpu.memory_space<hbm>> -> memref<2x128xf32, #tpu.memory_space<hbm>>
    %dma_start3A_77 = tpu.memref_slice %arg10[%dma_start3A_71] : memref<4x!tpu.dma_semaphore, #tpu.memory_space<semaphore_mem>> -> memref<1x!tpu.dma_semaphore, #tpu.memory_space<semaphore_mem>>
    %dma_start3A_78 = tpu.memref_squeeze %dma_start3A_77 : memref<1x!tpu.dma_semaphore, #tpu.memory_space<semaphore_mem>> -> memref<!tpu.dma_semaphore, #tpu.memory_space<semaphore_mem>>
    %dma_start3A_79 = arith.constant 0 : i32
    %dma_start3A_80 = arith.constant 0 : i32
    %dma_start3A_81 = tpu.memref_slice %arg6[%dma_start3A_70, %dma_start3A_79, %dma_start3A_80] : memref<4x2x128xf32, #tpu.memory_space<vmem>> -> memref<1x2x128xf32, #tpu.memory_space<vmem>>
    %dma_start3A_82 = tpu.memref_squeeze %dma_start3A_81 : memref<1x2x128xf32, #tpu.memory_space<vmem>> -> memref<2x128xf32, #tpu.memory_space<vmem>>
    %dma_start3A_83 = tpu.memref_slice %arg2[%add3A_69, %multiple_of3A_67] : memref<8192x8192xf32, #tpu.memory_space<hbm>> -> memref<2x128xf32, #tpu.memory_space<hbm>>
    tpu.enqueue_dma source(%dma_start3A_83 : memref<2x128xf32, #tpu.memory_space<hbm>>) target(%dma_start3A_82 : memref<2x128xf32, #tpu.memory_space<vmem>>) target_semaphore(%dma_start3A_78 : memref<!tpu.dma_semaphore, #tpu.memory_space<semaphore_mem>>)
    %iota3A = tpu.iota {dimensions = array<i32: 0>} : vector<16xi32>
    %lt3A = arith.constant 2 : i32
    %lt3A_84 = vector.broadcast %lt3A : i32 to vector<16xi32>
    %lt3A_85 = arith.cmpi slt, %iota3A, %lt3A_84 : vector<16xi32>
    %scan3A = arith.constant 0 : i32
    %scan3A_86 = arith.constant 32 : i32
    %scan3A_87 = arith.addi %scan3A, %scan3A_86 : i32
    %scan3A_88 = arith.constant 1 : i32
    scf.for %scan3A_130 = %scan3A to %scan3A_87 step %scan3A_88  : i32 {
      %mul3A_131 = arith.constant 4 : i32
      %mul3A_132 = arith.muli %scan3A_130, %mul3A_131 : i32
      %add3A_133 = arith.constant 0 : i32
      %add3A_134 = arith.addi %mul3A_132, %add3A_133 : i32
      %dma_wait3A_135 = arith.constant 0 : i32
      %dma_wait3A_136 = arith.constant 0 : i32
      %dma_wait3A_137 = tpu.memref_slice %arg8[%dma_wait3A_136] : memref<4x!tpu.dma_semaphore, #tpu.memory_space<semaphore_mem>> -> memref<1x!tpu.dma_semaphore, #tpu.memory_space<semaphore_mem>>
      %dma_wait3A_138 = tpu.memref_squeeze %dma_wait3A_137 : memref<1x!tpu.dma_semaphore, #tpu.memory_space<semaphore_mem>> -> memref<!tpu.dma_semaphore, #tpu.memory_space<semaphore_mem>>
      %dma_wait3A_139 = arith.constant 0 : i32
      %dma_wait3A_140 = arith.constant 0 : i32
      %dma_wait3A_141 = tpu.memref_slice %arg5[%arg1, %dma_wait3A_135, %dma_wait3A_139, %dma_wait3A_140] : memref<16x4x2x8192xf32, #tpu.memory_space<vmem_shared>> -> memref<1x1x2x8192xf32, #tpu.memory_space<vmem_shared>>
      %dma_wait3A_142 = tpu.memref_squeeze %dma_wait3A_141 : memref<1x1x2x8192xf32, #tpu.memory_space<vmem_shared>> -> memref<2x8192xf32, #tpu.memory_space<vmem_shared>>
      %dma_wait3A_143 = arith.constant 0 : i32
      %dma_wait3A_144 = tpu.memref_slice %arg2[%mul3A_2, %dma_wait3A_143] : memref<8192x8192xf32, #tpu.memory_space<hbm>> -> memref<2x8192xf32, #tpu.memory_space<hbm>>
      tpu.wait_dma2 semaphore(%dma_wait3A_138 : memref<!tpu.dma_semaphore, #tpu.memory_space<semaphore_mem>>) src(%dma_wait3A_144 : memref<2x8192xf32, #tpu.memory_space<hbm>>) dst(%dma_wait3A_142 : memref<2x8192xf32, #tpu.memory_space<vmem_shared>>)
      %dma_wait3A_145 = arith.constant 0 : i32
      %dma_wait3A_146 = arith.constant 0 : i32
      %dma_wait3A_147 = arith.constant 0 : i32
      %dma_wait3A_148 = arith.constant 0 : i32
      %dma_wait3A_149 = tpu.memref_slice %arg6[%dma_wait3A_145, %dma_wait3A_147, %dma_wait3A_148] : memref<4x2x128xf32, #tpu.memory_space<vmem>> -> memref<1x2x128xf32, #tpu.memory_space<vmem>>
      %dma_wait3A_150 = tpu.memref_squeeze %dma_wait3A_149 : memref<1x2x128xf32, #tpu.memory_space<vmem>> -> memref<2x128xf32, #tpu.memory_space<vmem>>
      %dma_wait3A_151 = arith.constant 0 : i32
      %dma_wait3A_152 = tpu.memref_slice %arg2[%mul3A_2, %dma_wait3A_151] : memref<8192x8192xf32, #tpu.memory_space<hbm>> -> memref<2x128xf32, #tpu.memory_space<hbm>>
      %dma_wait3A_153 = tpu.memref_slice %arg10[%dma_wait3A_146] : memref<4x!tpu.dma_semaphore, #tpu.memory_space<semaphore_mem>> -> memref<1x!tpu.dma_semaphore, #tpu.memory_space<semaphore_mem>>
      %dma_wait3A_154 = tpu.memref_squeeze %dma_wait3A_153 : memref<1x!tpu.dma_semaphore, #tpu.memory_space<semaphore_mem>> -> memref<!tpu.dma_semaphore, #tpu.memory_space<semaphore_mem>>
      %dma_wait3A_155 = arith.constant 0 : i32
      %dma_wait3A_156 = arith.constant 0 : i32
      %dma_wait3A_157 = tpu.memref_slice %arg6[%dma_wait3A_145, %dma_wait3A_155, %dma_wait3A_156] : memref<4x2x128xf32, #tpu.memory_space<vmem>> -> memref<1x2x128xf32, #tpu.memory_space<vmem>>
      %dma_wait3A_158 = tpu.memref_squeeze %dma_wait3A_157 : memref<1x2x128xf32, #tpu.memory_space<vmem>> -> memref<2x128xf32, #tpu.memory_space<vmem>>
      %dma_wait3A_159 = arith.constant 0 : i32
      %dma_wait3A_160 = tpu.memref_slice %arg2[%mul3A_2, %dma_wait3A_159] : memref<8192x8192xf32, #tpu.memory_space<hbm>> -> memref<2x128xf32, #tpu.memory_space<hbm>>
      tpu.wait_dma2 semaphore(%dma_wait3A_154 : memref<!tpu.dma_semaphore, #tpu.memory_space<semaphore_mem>>) src(%dma_wait3A_160 : memref<2x128xf32, #tpu.memory_space<hbm>>) dst(%dma_wait3A_158 : memref<2x128xf32, #tpu.memory_space<vmem>>)
      %mul3A_161 = arith.constant 2 : i32
      %mul3A_162 = arith.muli %add3A_134, %mul3A_161 : i32
      %add3A_163 = arith.addi %mul3A_2, %mul3A_162 : i32
      %rem3A_164 = arith.constant 128 : i32
      %rem3A_165 = arith.remsi %add3A_163, %rem3A_164 : i32
      %sub3A_166 = arith.subi %add3A_163, %rem3A_165 : i32
      %multiple_of3A_167 = tpu.assume_multiple %sub3A_166, 128 : i32
      %mul3A_168 = arith.constant 2 : i32
      %mul3A_169 = arith.muli %add3A_134, %mul3A_168 : i32
      %add3A_170 = vector.broadcast %mul3A_169 : i32 to vector<16xi32>
      %add3A_171 = arith.addi %add3A_170, %iota3A : vector<16xi32>
      %gather3A = tpu.vector_load_idx %arg7[%add3A_171] : memref<272xf32, #tpu.memory_space<vmem>>[vector<16xi32>], vector<16xf32>,
      %add3A_172 = vector.broadcast %rem3A_165 : i32 to vector<16xi32>
      %add3A_173 = arith.addi %add3A_172, %iota3A : vector<16xi32>
      %scatter3A = arith.constant 0 : i32
      %scatter3A_174 = arith.constant 0 : i32
      %scatter3A_175 = arith.constant 0 : i32
      %scatter3A_176 = tpu.memref_slice %arg6[%scatter3A, %scatter3A_174, %scatter3A_175] : memref<4x2x128xf32, #tpu.memory_space<vmem>> -> memref<1x2x128xf32, #tpu.memory_space<vmem>>
      %scatter3A_177 = tpu.memref_squeeze %scatter3A_176 : memref<1x2x128xf32, #tpu.memory_space<vmem>> -> memref<2x128xf32, #tpu.memory_space<vmem>>
      tpu.vector_store_idx %scatter3A_177[%iota3A, %add3A_173], %gather3A masked %lt3A_85 {add = true} : memref<2x128xf32, #tpu.memory_space<vmem>>[vector<16xi32>, vector<16xi32>], vector<16xf32>, vector<16xi1>
      %dma_start3A_178 = arith.constant 0 : i32
      %dma_start3A_179 = arith.constant 0 : i32
      %dma_start3A_180 = arith.constant 0 : i32
      %dma_start3A_181 = arith.constant 0 : i32
      %dma_start3A_182 = arith.constant 0 : i32
      %dma_start3A_183 = tpu.memref_slice %arg6[%dma_start3A_178, %dma_start3A_181, %dma_start3A_182] : memref<4x2x128xf32, #tpu.memory_space<vmem>> -> memref<1x2x128xf32, #tpu.memory_space<vmem>>
      %dma_start3A_184 = tpu.memref_squeeze %dma_start3A_183 : memref<1x2x128xf32, #tpu.memory_space<vmem>> -> memref<2x128xf32, #tpu.memory_space<vmem>>
      %dma_start3A_185 = arith.constant 0 : i32
      %dma_start3A_186 = tpu.memref_slice %arg5[%arg1, %dma_start3A_179, %dma_start3A_185, %multiple_of3A_167] : memref<16x4x2x8192xf32, #tpu.memory_space<vmem_shared>> -> memref<1x1x2x128xf32, #tpu.memory_space<vmem_shared>>
      %dma_start3A_187 = tpu.memref_squeeze %dma_start3A_186 : memref<1x1x2x128xf32, #tpu.memory_space<vmem_shared>> -> memref<2x128xf32, #tpu.memory_space<vmem_shared>>
      %dma_start3A_188 = tpu.memref_slice %arg11[%dma_start3A_180] : memref<4x!tpu.dma_semaphore, #tpu.memory_space<semaphore_mem>> -> memref<1x!tpu.dma_semaphore, #tpu.memory_space<semaphore_mem>>
      %dma_start3A_189 = tpu.memref_squeeze %dma_start3A_188 : memref<1x!tpu.dma_semaphore, #tpu.memory_space<semaphore_mem>> -> memref<!tpu.dma_semaphore, #tpu.memory_space<semaphore_mem>>
      %dma_start3A_190 = arith.constant 0 : i32
      %dma_start3A_191 = tpu.memref_slice %arg5[%arg1, %dma_start3A_179, %dma_start3A_190, %multiple_of3A_167] : memref<16x4x2x8192xf32, #tpu.memory_space<vmem_shared>> -> memref<1x1x2x128xf32, #tpu.memory_space<vmem_shared>>
      %dma_start3A_192 = tpu.memref_squeeze %dma_start3A_191 : memref<1x1x2x128xf32, #tpu.memory_space<vmem_shared>> -> memref<2x128xf32, #tpu.memory_space<vmem_shared>>
      %dma_start3A_193 = arith.constant 0 : i32
      %dma_start3A_194 = arith.constant 0 : i32
      %dma_start3A_195 = tpu.memref_slice %arg6[%dma_start3A_178, %dma_start3A_193, %dma_start3A_194] : memref<4x2x128xf32, #tpu.memory_space<vmem>> -> memref<1x2x128xf32, #tpu.memory_space<vmem>>
      %dma_start3A_196 = tpu.memref_squeeze %dma_start3A_195 : memref<1x2x128xf32, #tpu.memory_space<vmem>> -> memref<2x128xf32, #tpu.memory_space<vmem>>
      tpu.enqueue_dma source(%dma_start3A_196 : memref<2x128xf32, #tpu.memory_space<vmem>>) target(%dma_start3A_192 : memref<2x128xf32, #tpu.memory_space<vmem_shared>>) target_semaphore(%dma_start3A_189 : memref<!tpu.dma_semaphore, #tpu.memory_space<semaphore_mem>>)
      %dma_wait3A_197 = arith.constant 0 : i32
      %dma_wait3A_198 = arith.constant 0 : i32
      %dma_wait3A_199 = arith.constant 0 : i32
      %dma_wait3A_200 = arith.constant 0 : i32
      %dma_wait3A_201 = arith.constant 0 : i32
      %dma_wait3A_202 = tpu.memref_slice %arg6[%dma_wait3A_197, %dma_wait3A_200, %dma_wait3A_201] : memref<4x2x128xf32, #tpu.memory_space<vmem>> -> memref<1x2x128xf32, #tpu.memory_space<vmem>>
      %dma_wait3A_203 = tpu.memref_squeeze %dma_wait3A_202 : memref<1x2x128xf32, #tpu.memory_space<vmem>> -> memref<2x128xf32, #tpu.memory_space<vmem>>
      %dma_wait3A_204 = arith.constant 0 : i32
      %dma_wait3A_205 = arith.constant 0 : i32
      %dma_wait3A_206 = tpu.memref_slice %arg5[%arg1, %dma_wait3A_198, %dma_wait3A_204, %dma_wait3A_205] : memref<16x4x2x8192xf32, #tpu.memory_space<vmem_shared>> -> memref<1x1x2x128xf32, #tpu.memory_space<vmem_shared>>
      %dma_wait3A_207 = tpu.memref_squeeze %dma_wait3A_206 : memref<1x1x2x128xf32, #tpu.memory_space<vmem_shared>> -> memref<2x128xf32, #tpu.memory_space<vmem_shared>>
      %dma_wait3A_208 = tpu.memref_slice %arg11[%dma_wait3A_199] : memref<4x!tpu.dma_semaphore, #tpu.memory_space<semaphore_mem>> -> memref<1x!tpu.dma_semaphore, #tpu.memory_space<semaphore_mem>>
      %dma_wait3A_209 = tpu.memref_squeeze %dma_wait3A_208 : memref<1x!tpu.dma_semaphore, #tpu.memory_space<semaphore_mem>> -> memref<!tpu.dma_semaphore, #tpu.memory_space<semaphore_mem>>
      %dma_wait3A_210 = arith.constant 0 : i32
      %dma_wait3A_211 = arith.constant 0 : i32
      %dma_wait3A_212 = tpu.memref_slice %arg5[%arg1, %dma_wait3A_198, %dma_wait3A_210, %dma_wait3A_211] : memref<16x4x2x8192xf32, #tpu.memory_space<vmem_shared>> -> memref<1x1x2x128xf32, #tpu.memory_space<vmem_shared>>
      %dma_wait3A_213 = tpu.memref_squeeze %dma_wait3A_212 : memref<1x1x2x128xf32, #tpu.memory_space<vmem_shared>> -> memref<2x128xf32, #tpu.memory_space<vmem_shared>>
      %dma_wait3A_214 = arith.constant 0 : i32
      %dma_wait3A_215 = arith.constant 0 : i32
      %dma_wait3A_216 = tpu.memref_slice %arg6[%dma_wait3A_197, %dma_wait3A_214, %dma_wait3A_215] : memref<4x2x128xf32, #tpu.memory_space<vmem>> -> memref<1x2x128xf32, #tpu.memory_space<vmem>>
      %dma_wait3A_217 = tpu.memref_squeeze %dma_wait3A_216 : memref<1x2x128xf32, #tpu.memory_space<vmem>> -> memref<2x128xf32, #tpu.memory_space<vmem>>
      tpu.wait_dma2 semaphore(%dma_wait3A_209 : memref<!tpu.dma_semaphore, #tpu.memory_space<semaphore_mem>>) src(%dma_wait3A_217 : memref<2x128xf32, #tpu.memory_space<vmem>>) dst(%dma_wait3A_213 : memref<2x128xf32, #tpu.memory_space<vmem_shared>>)
      %mul3A_218 = arith.constant 2 : i32
      %mul3A_219 = arith.muli %add3A_134, %mul3A_218 : i32
      %add3A_220 = arith.addi %mul3A_2, %mul3A_219 : i32
      %dma_start3A_221 = arith.constant 0 : i32
      %dma_start3A_222 = arith.constant 0 : i32
      %dma_start3A_223 = tpu.memref_slice %arg9[%dma_start3A_222] : memref<4x!tpu.dma_semaphore, #tpu.memory_space<semaphore_mem>> -> memref<1x!tpu.dma_semaphore, #tpu.memory_space<semaphore_mem>>
      %dma_start3A_224 = tpu.memref_squeeze %dma_start3A_223 : memref<1x!tpu.dma_semaphore, #tpu.memory_space<semaphore_mem>> -> memref<!tpu.dma_semaphore, #tpu.memory_space<semaphore_mem>>
      %dma_start3A_225 = arith.constant 0 : i32
      %dma_start3A_226 = tpu.memref_slice %arg4[%add3A_220, %dma_start3A_225] : memref<8192x8192xf32, #tpu.memory_space<hbm>> -> memref<2x8192xf32, #tpu.memory_space<hbm>>
      %dma_start3A_227 = arith.constant 0 : i32
      %dma_start3A_228 = arith.constant 0 : i32
      %dma_start3A_229 = tpu.memref_slice %arg5[%arg1, %dma_start3A_221, %dma_start3A_227, %dma_start3A_228] : memref<16x4x2x8192xf32, #tpu.memory_space<vmem_shared>> -> memref<1x1x2x8192xf32, #tpu.memory_space<vmem_shared>>
      %dma_start3A_230 = tpu.memref_squeeze %dma_start3A_229 : memref<1x1x2x8192xf32, #tpu.memory_space<vmem_shared>> -> memref<2x8192xf32, #tpu.memory_space<vmem_shared>>
      tpu.enqueue_dma source(%dma_start3A_230 : memref<2x8192xf32, #tpu.memory_space<vmem_shared>>) target(%dma_start3A_226 : memref<2x8192xf32, #tpu.memory_space<hbm>>) target_semaphore(%dma_start3A_224 : memref<!tpu.dma_semaphore, #tpu.memory_space<semaphore_mem>>)
      %add3A_231 = arith.constant 2 : i32
      %add3A_232 = arith.addi %add3A_134, %add3A_231 : i32
      %lt3A_233 = arith.constant 128 : i32
      %lt3A_234 = arith.cmpi slt, %add3A_232, %lt3A_233 : i32
      %convert_element_type3A = arith.extui %lt3A_234 : i1 to i32
      %cond3A = arith.constant 0 : i32
      %cond3A_235 = arith.cmpi ne, %convert_element_type3A, %cond3A : i32
      scf.if %cond3A_235 {
        %add3A_563 = arith.constant 2 : i32
        %add3A_564 = arith.addi %add3A_134, %add3A_563 : i32
        %ge3A = arith.constant 4 : i32
        %ge3A_565 = arith.cmpi sge, %add3A_564, %ge3A : i32
        %convert_element_type3A_566 = arith.extui %ge3A_565 : i1 to i32
        %cond3A_567 = arith.constant 0 : i32
        %cond3A_568 = arith.cmpi ne, %convert_element_type3A_566, %cond3A_567 : i32
        scf.if %cond3A_568 {
          %dma_wait3A_608 = arith.constant 2 : i32
          %dma_wait3A_609 = arith.constant 2 : i32
          %dma_wait3A_610 = tpu.memref_slice %arg9[%dma_wait3A_609] : memref<4x!tpu.dma_semaphore, #tpu.memory_space<semaphore_mem>> -> memref<1x!tpu.dma_semaphore, #tpu.memory_space<semaphore_mem>>
          %dma_wait3A_611 = tpu.memref_squeeze %dma_wait3A_610 : memref<1x!tpu.dma_semaphore, #tpu.memory_space<semaphore_mem>> -> memref<!tpu.dma_semaphore, #tpu.memory_space<semaphore_mem>>
          %dma_wait3A_612 = arith.constant 0 : i32
          %dma_wait3A_613 = tpu.memref_slice %arg4[%mul3A_2, %dma_wait3A_612] : memref<8192x8192xf32, #tpu.memory_space<hbm>> -> memref<2x8192xf32, #tpu.memory_space<hbm>>
          %dma_wait3A_614 = arith.constant 0 : i32
          %dma_wait3A_615 = arith.constant 0 : i32
          %dma_wait3A_616 = tpu.memref_slice %arg5[%arg1, %dma_wait3A_608, %dma_wait3A_614, %dma_wait3A_615] : memref<16x4x2x8192xf32, #tpu.memory_space<vmem_shared>> -> memref<1x1x2x8192xf32, #tpu.memory_space<vmem_shared>>
          %dma_wait3A_617 = tpu.memref_squeeze %dma_wait3A_616 : memref<1x1x2x8192xf32, #tpu.memory_space<vmem_shared>> -> memref<2x8192xf32, #tpu.memory_space<vmem_shared>>
          tpu.wait_dma2 semaphore(%dma_wait3A_611 : memref<!tpu.dma_semaphore, #tpu.memory_space<semaphore_mem>>) src(%dma_wait3A_617 : memref<2x8192xf32, #tpu.memory_space<vmem_shared>>) dst(%dma_wait3A_613 : memref<2x8192xf32, #tpu.memory_space<hbm>>)
        } else {
        }
        %add3A_569 = arith.constant 2 : i32
        %add3A_570 = arith.addi %add3A_134, %add3A_569 : i32
        %mul3A_571 = arith.constant 2 : i32
        %mul3A_572 = arith.muli %add3A_570, %mul3A_571 : i32
        %add3A_573 = arith.addi %mul3A_2, %mul3A_572 : i32
        %dma_start3A_574 = arith.constant 2 : i32
        %dma_start3A_575 = arith.constant 2 : i32
        %dma_start3A_576 = tpu.memref_slice %arg8[%dma_start3A_575] : memref<4x!tpu.dma_semaphore, #tpu.memory_space<semaphore_mem>> -> memref<1x!tpu.dma_semaphore, #tpu.memory_space<semaphore_mem>>
        %dma_start3A_577 = tpu.memref_squeeze %dma_start3A_576 : memref<1x!tpu.dma_semaphore, #tpu.memory_space<semaphore_mem>> -> memref<!tpu.dma_semaphore, #tpu.memory_space<semaphore_mem>>
        %dma_start3A_578 = arith.constant 0 : i32
        %dma_start3A_579 = arith.constant 0 : i32
        %dma_start3A_580 = tpu.memref_slice %arg5[%arg1, %dma_start3A_574, %dma_start3A_578, %dma_start3A_579] : memref<16x4x2x8192xf32, #tpu.memory_space<vmem_shared>> -> memref<1x1x2x8192xf32, #tpu.memory_space<vmem_shared>>
        %dma_start3A_581 = tpu.memref_squeeze %dma_start3A_580 : memref<1x1x2x8192xf32, #tpu.memory_space<vmem_shared>> -> memref<2x8192xf32, #tpu.memory_space<vmem_shared>>
        %dma_start3A_582 = arith.constant 0 : i32
        %dma_start3A_583 = tpu.memref_slice %arg2[%add3A_573, %dma_start3A_582] : memref<8192x8192xf32, #tpu.memory_space<hbm>> -> memref<2x8192xf32, #tpu.memory_space<hbm>>
        tpu.enqueue_dma source(%dma_start3A_583 : memref<2x8192xf32, #tpu.memory_space<hbm>>) target(%dma_start3A_581 : memref<2x8192xf32, #tpu.memory_space<vmem_shared>>) target_semaphore(%dma_start3A_577 : memref<!tpu.dma_semaphore, #tpu.memory_space<semaphore_mem>>)
        %mul3A_584 = arith.constant 2 : i32
        %mul3A_585 = arith.muli %add3A_570, %mul3A_584 : i32
        %add3A_586 = arith.addi %mul3A_2, %mul3A_585 : i32
        %rem3A_587 = arith.constant 128 : i32
        %rem3A_588 = arith.remsi %add3A_586, %rem3A_587 : i32
        %sub3A_589 = arith.subi %add3A_586, %rem3A_588 : i32
        %multiple_of3A_590 = tpu.assume_multiple %sub3A_589, 128 : i32
        %mul3A_591 = arith.constant 2 : i32
        %mul3A_592 = arith.muli %add3A_570, %mul3A_591 : i32
        %add3A_593 = arith.addi %mul3A_2, %mul3A_592 : i32
        %dma_start3A_594 = arith.constant 2 : i32
        %dma_start3A_595 = arith.constant 2 : i32
        %dma_start3A_596 = arith.constant 0 : i32
        %dma_start3A_597 = arith.constant 0 : i32
        %dma_start3A_598 = tpu.memref_slice %arg6[%dma_start3A_594, %dma_start3A_596, %dma_start3A_597] : memref<4x2x128xf32, #tpu.memory_space<vmem>> -> memref<1x2x128xf32, #tpu.memory_space<vmem>>
        %dma_start3A_599 = tpu.memref_squeeze %dma_start3A_598 : memref<1x2x128xf32, #tpu.memory_space<vmem>> -> memref<2x128xf32, #tpu.memory_space<vmem>>
        %dma_start3A_600 = tpu.memref_slice %arg2[%add3A_593, %multiple_of3A_590] : memref<8192x8192xf32, #tpu.memory_space<hbm>> -> memref<2x128xf32, #tpu.memory_space<hbm>>
        %dma_start3A_601 = tpu.memref_slice %arg10[%dma_start3A_595] : memref<4x!tpu.dma_semaphore, #tpu.memory_space<semaphore_mem>> -> memref<1x!tpu.dma_semaphore, #tpu.memory_space<semaphore_mem>>
        %dma_start3A_602 = tpu.memref_squeeze %dma_start3A_601 : memref<1x!tpu.dma_semaphore, #tpu.memory_space<semaphore_mem>> -> memref<!tpu.dma_semaphore, #tpu.memory_space<semaphore_mem>>
        %dma_start3A_603 = arith.constant 0 : i32
        %dma_start3A_604 = arith.constant 0 : i32
        %dma_start3A_605 = tpu.memref_slice %arg6[%dma_start3A_594, %dma_start3A_603, %dma_start3A_604] : memref<4x2x128xf32, #tpu.memory_space<vmem>> -> memref<1x2x128xf32, #tpu.memory_space<vmem>>
        %dma_start3A_606 = tpu.memref_squeeze %dma_start3A_605 : memref<1x2x128xf32, #tpu.memory_space<vmem>> -> memref<2x128xf32, #tpu.memory_space<vmem>>
        %dma_start3A_607 = tpu.memref_slice %arg2[%add3A_593, %multiple_of3A_590] : memref<8192x8192xf32, #tpu.memory_space<hbm>> -> memref<2x128xf32, #tpu.memory_space<hbm>>
        tpu.enqueue_dma source(%dma_start3A_607 : memref<2x128xf32, #tpu.memory_space<hbm>>) target(%dma_start3A_606 : memref<2x128xf32, #tpu.memory_space<vmem>>) target_semaphore(%dma_start3A_602 : memref<!tpu.dma_semaphore, #tpu.memory_space<semaphore_mem>>)
      } else {
      }
      %mul3A_236 = arith.constant 4 : i32
      %mul3A_237 = arith.muli %scan3A_130, %mul3A_236 : i32
      %add3A_238 = arith.constant 1 : i32
      %add3A_239 = arith.addi %mul3A_237, %add3A_238 : i32
      %dma_wait3A_240 = arith.constant 1 : i32
      %dma_wait3A_241 = arith.constant 1 : i32
      %dma_wait3A_242 = tpu.memref_slice %arg8[%dma_wait3A_241] : memref<4x!tpu.dma_semaphore, #tpu.memory_space<semaphore_mem>> -> memref<1x!tpu.dma_semaphore, #tpu.memory_space<semaphore_mem>>
      %dma_wait3A_243 = tpu.memref_squeeze %dma_wait3A_242 : memref<1x!tpu.dma_semaphore, #tpu.memory_space<semaphore_mem>> -> memref<!tpu.dma_semaphore, #tpu.memory_space<semaphore_mem>>
      %dma_wait3A_244 = arith.constant 0 : i32
      %dma_wait3A_245 = arith.constant 0 : i32
      %dma_wait3A_246 = tpu.memref_slice %arg5[%arg1, %dma_wait3A_240, %dma_wait3A_244, %dma_wait3A_245] : memref<16x4x2x8192xf32, #tpu.memory_space<vmem_shared>> -> memref<1x1x2x8192xf32, #tpu.memory_space<vmem_shared>>
      %dma_wait3A_247 = tpu.memref_squeeze %dma_wait3A_246 : memref<1x1x2x8192xf32, #tpu.memory_space<vmem_shared>> -> memref<2x8192xf32, #tpu.memory_space<vmem_shared>>
      %dma_wait3A_248 = arith.constant 0 : i32
      %dma_wait3A_249 = tpu.memref_slice %arg2[%mul3A_2, %dma_wait3A_248] : memref<8192x8192xf32, #tpu.memory_space<hbm>> -> memref<2x8192xf32, #tpu.memory_space<hbm>>
      tpu.wait_dma2 semaphore(%dma_wait3A_243 : memref<!tpu.dma_semaphore, #tpu.memory_space<semaphore_mem>>) src(%dma_wait3A_249 : memref<2x8192xf32, #tpu.memory_space<hbm>>) dst(%dma_wait3A_247 : memref<2x8192xf32, #tpu.memory_space<vmem_shared>>)
      %dma_wait3A_250 = arith.constant 1 : i32
      %dma_wait3A_251 = arith.constant 1 : i32
      %dma_wait3A_252 = arith.constant 0 : i32
      %dma_wait3A_253 = arith.constant 0 : i32
      %dma_wait3A_254 = tpu.memref_slice %arg6[%dma_wait3A_250, %dma_wait3A_252, %dma_wait3A_253] : memref<4x2x128xf32, #tpu.memory_space<vmem>> -> memref<1x2x128xf32, #tpu.memory_space<vmem>>
      %dma_wait3A_255 = tpu.memref_squeeze %dma_wait3A_254 : memref<1x2x128xf32, #tpu.memory_space<vmem>> -> memref<2x128xf32, #tpu.memory_space<vmem>>
      %dma_wait3A_256 = arith.constant 0 : i32
      %dma_wait3A_257 = tpu.memref_slice %arg2[%mul3A_2, %dma_wait3A_256] : memref<8192x8192xf32, #tpu.memory_space<hbm>> -> memref<2x128xf32, #tpu.memory_space<hbm>>
      %dma_wait3A_258 = tpu.memref_slice %arg10[%dma_wait3A_251] : memref<4x!tpu.dma_semaphore, #tpu.memory_space<semaphore_mem>> -> memref<1x!tpu.dma_semaphore, #tpu.memory_space<semaphore_mem>>
      %dma_wait3A_259 = tpu.memref_squeeze %dma_wait3A_258 : memref<1x!tpu.dma_semaphore, #tpu.memory_space<semaphore_mem>> -> memref<!tpu.dma_semaphore, #tpu.memory_space<semaphore_mem>>
      %dma_wait3A_260 = arith.constant 0 : i32
      %dma_wait3A_261 = arith.constant 0 : i32
      %dma_wait3A_262 = tpu.memref_slice %arg6[%dma_wait3A_250, %dma_wait3A_260, %dma_wait3A_261] : memref<4x2x128xf32, #tpu.memory_space<vmem>> -> memref<1x2x128xf32, #tpu.memory_space<vmem>>
      %dma_wait3A_263 = tpu.memref_squeeze %dma_wait3A_262 : memref<1x2x128xf32, #tpu.memory_space<vmem>> -> memref<2x128xf32, #tpu.memory_space<vmem>>
      %dma_wait3A_264 = arith.constant 0 : i32
      %dma_wait3A_265 = tpu.memref_slice %arg2[%mul3A_2, %dma_wait3A_264] : memref<8192x8192xf32, #tpu.memory_space<hbm>> -> memref<2x128xf32, #tpu.memory_space<hbm>>
      tpu.wait_dma2 semaphore(%dma_wait3A_259 : memref<!tpu.dma_semaphore, #tpu.memory_space<semaphore_mem>>) src(%dma_wait3A_265 : memref<2x128xf32, #tpu.memory_space<hbm>>) dst(%dma_wait3A_263 : memref<2x128xf32, #tpu.memory_space<vmem>>)
      %mul3A_266 = arith.constant 2 : i32
      %mul3A_267 = arith.muli %add3A_239, %mul3A_266 : i32
      %add3A_268 = arith.addi %mul3A_2, %mul3A_267 : i32
      %rem3A_269 = arith.constant 128 : i32
      %rem3A_270 = arith.remsi %add3A_268, %rem3A_269 : i32
      %sub3A_271 = arith.subi %add3A_268, %rem3A_270 : i32
      %multiple_of3A_272 = tpu.assume_multiple %sub3A_271, 128 : i32
      %mul3A_273 = arith.constant 2 : i32
      %mul3A_274 = arith.muli %add3A_239, %mul3A_273 : i32
      %add3A_275 = vector.broadcast %mul3A_274 : i32 to vector<16xi32>
      %add3A_276 = arith.addi %add3A_275, %iota3A : vector<16xi32>
      %gather3A_277 = tpu.vector_load_idx %arg7[%add3A_276] : memref<272xf32, #tpu.memory_space<vmem>>[vector<16xi32>], vector<16xf32>,
      %add3A_278 = vector.broadcast %rem3A_270 : i32 to vector<16xi32>
      %add3A_279 = arith.addi %add3A_278, %iota3A : vector<16xi32>
      %scatter3A_280 = arith.constant 1 : i32
      %scatter3A_281 = arith.constant 0 : i32
      %scatter3A_282 = arith.constant 0 : i32
      %scatter3A_283 = tpu.memref_slice %arg6[%scatter3A_280, %scatter3A_281, %scatter3A_282] : memref<4x2x128xf32, #tpu.memory_space<vmem>> -> memref<1x2x128xf32, #tpu.memory_space<vmem>>
      %scatter3A_284 = tpu.memref_squeeze %scatter3A_283 : memref<1x2x128xf32, #tpu.memory_space<vmem>> -> memref<2x128xf32, #tpu.memory_space<vmem>>
      tpu.vector_store_idx %scatter3A_284[%iota3A, %add3A_279], %gather3A_277 masked %lt3A_85 {add = true} : memref<2x128xf32, #tpu.memory_space<vmem>>[vector<16xi32>, vector<16xi32>], vector<16xf32>, vector<16xi1>
      %dma_start3A_285 = arith.constant 1 : i32
      %dma_start3A_286 = arith.constant 1 : i32
      %dma_start3A_287 = arith.constant 1 : i32
      %dma_start3A_288 = arith.constant 0 : i32
      %dma_start3A_289 = arith.constant 0 : i32
      %dma_start3A_290 = tpu.memref_slice %arg6[%dma_start3A_285, %dma_start3A_288, %dma_start3A_289] : memref<4x2x128xf32, #tpu.memory_space<vmem>> -> memref<1x2x128xf32, #tpu.memory_space<vmem>>
      %dma_start3A_291 = tpu.memref_squeeze %dma_start3A_290 : memref<1x2x128xf32, #tpu.memory_space<vmem>> -> memref<2x128xf32, #tpu.memory_space<vmem>>
      %dma_start3A_292 = arith.constant 0 : i32
      %dma_start3A_293 = tpu.memref_slice %arg5[%arg1, %dma_start3A_286, %dma_start3A_292, %multiple_of3A_272] : memref<16x4x2x8192xf32, #tpu.memory_space<vmem_shared>> -> memref<1x1x2x128xf32, #tpu.memory_space<vmem_shared>>
      %dma_start3A_294 = tpu.memref_squeeze %dma_start3A_293 : memref<1x1x2x128xf32, #tpu.memory_space<vmem_shared>> -> memref<2x128xf32, #tpu.memory_space<vmem_shared>>
      %dma_start3A_295 = tpu.memref_slice %arg11[%dma_start3A_287] : memref<4x!tpu.dma_semaphore, #tpu.memory_space<semaphore_mem>> -> memref<1x!tpu.dma_semaphore, #tpu.memory_space<semaphore_mem>>
      %dma_start3A_296 = tpu.memref_squeeze %dma_start3A_295 : memref<1x!tpu.dma_semaphore, #tpu.memory_space<semaphore_mem>> -> memref<!tpu.dma_semaphore, #tpu.memory_space<semaphore_mem>>
      %dma_start3A_297 = arith.constant 0 : i32
      %dma_start3A_298 = tpu.memref_slice %arg5[%arg1, %dma_start3A_286, %dma_start3A_297, %multiple_of3A_272] : memref<16x4x2x8192xf32, #tpu.memory_space<vmem_shared>> -> memref<1x1x2x128xf32, #tpu.memory_space<vmem_shared>>
      %dma_start3A_299 = tpu.memref_squeeze %dma_start3A_298 : memref<1x1x2x128xf32, #tpu.memory_space<vmem_shared>> -> memref<2x128xf32, #tpu.memory_space<vmem_shared>>
      %dma_start3A_300 = arith.constant 0 : i32
      %dma_start3A_301 = arith.constant 0 : i32
      %dma_start3A_302 = tpu.memref_slice %arg6[%dma_start3A_285, %dma_start3A_300, %dma_start3A_301] : memref<4x2x128xf32, #tpu.memory_space<vmem>> -> memref<1x2x128xf32, #tpu.memory_space<vmem>>
      %dma_start3A_303 = tpu.memref_squeeze %dma_start3A_302 : memref<1x2x128xf32, #tpu.memory_space<vmem>> -> memref<2x128xf32, #tpu.memory_space<vmem>>
      tpu.enqueue_dma source(%dma_start3A_303 : memref<2x128xf32, #tpu.memory_space<vmem>>) target(%dma_start3A_299 : memref<2x128xf32, #tpu.memory_space<vmem_shared>>) target_semaphore(%dma_start3A_296 : memref<!tpu.dma_semaphore, #tpu.memory_space<semaphore_mem>>)
      %dma_wait3A_304 = arith.constant 1 : i32
      %dma_wait3A_305 = arith.constant 1 : i32
      %dma_wait3A_306 = arith.constant 1 : i32
      %dma_wait3A_307 = arith.constant 0 : i32
      %dma_wait3A_308 = arith.constant 0 : i32
      %dma_wait3A_309 = tpu.memref_slice %arg6[%dma_wait3A_304, %dma_wait3A_307, %dma_wait3A_308] : memref<4x2x128xf32, #tpu.memory_space<vmem>> -> memref<1x2x128xf32, #tpu.memory_space<vmem>>
      %dma_wait3A_310 = tpu.memref_squeeze %dma_wait3A_309 : memref<1x2x128xf32, #tpu.memory_space<vmem>> -> memref<2x128xf32, #tpu.memory_space<vmem>>
      %dma_wait3A_311 = arith.constant 0 : i32
      %dma_wait3A_312 = arith.constant 0 : i32
      %dma_wait3A_313 = tpu.memref_slice %arg5[%arg1, %dma_wait3A_305, %dma_wait3A_311, %dma_wait3A_312] : memref<16x4x2x8192xf32, #tpu.memory_space<vmem_shared>> -> memref<1x1x2x128xf32, #tpu.memory_space<vmem_shared>>
      %dma_wait3A_314 = tpu.memref_squeeze %dma_wait3A_313 : memref<1x1x2x128xf32, #tpu.memory_space<vmem_shared>> -> memref<2x128xf32, #tpu.memory_space<vmem_shared>>
      %dma_wait3A_315 = tpu.memref_slice %arg11[%dma_wait3A_306] : memref<4x!tpu.dma_semaphore, #tpu.memory_space<semaphore_mem>> -> memref<1x!tpu.dma_semaphore, #tpu.memory_space<semaphore_mem>>
      %dma_wait3A_316 = tpu.memref_squeeze %dma_wait3A_315 : memref<1x!tpu.dma_semaphore, #tpu.memory_space<semaphore_mem>> -> memref<!tpu.dma_semaphore, #tpu.memory_space<semaphore_mem>>
      %dma_wait3A_317 = arith.constant 0 : i32
      %dma_wait3A_318 = arith.constant 0 : i32
      %dma_wait3A_319 = tpu.memref_slice %arg5[%arg1, %dma_wait3A_305, %dma_wait3A_317, %dma_wait3A_318] : memref<16x4x2x8192xf32, #tpu.memory_space<vmem_shared>> -> memref<1x1x2x128xf32, #tpu.memory_space<vmem_shared>>
      %dma_wait3A_320 = tpu.memref_squeeze %dma_wait3A_319 : memref<1x1x2x128xf32, #tpu.memory_space<vmem_shared>> -> memref<2x128xf32, #tpu.memory_space<vmem_shared>>
      %dma_wait3A_321 = arith.constant 0 : i32
      %dma_wait3A_322 = arith.constant 0 : i32
      %dma_wait3A_323 = tpu.memref_slice %arg6[%dma_wait3A_304, %dma_wait3A_321, %dma_wait3A_322] : memref<4x2x128xf32, #tpu.memory_space<vmem>> -> memref<1x2x128xf32, #tpu.memory_space<vmem>>
      %dma_wait3A_324 = tpu.memref_squeeze %dma_wait3A_323 : memref<1x2x128xf32, #tpu.memory_space<vmem>> -> memref<2x128xf32, #tpu.memory_space<vmem>>
      tpu.wait_dma2 semaphore(%dma_wait3A_316 : memref<!tpu.dma_semaphore, #tpu.memory_space<semaphore_mem>>) src(%dma_wait3A_324 : memref<2x128xf32, #tpu.memory_space<vmem>>) dst(%dma_wait3A_320 : memref<2x128xf32, #tpu.memory_space<vmem_shared>>)
      %mul3A_325 = arith.constant 2 : i32
      %mul3A_326 = arith.muli %add3A_239, %mul3A_325 : i32
      %add3A_327 = arith.addi %mul3A_2, %mul3A_326 : i32
      %dma_start3A_328 = arith.constant 1 : i32
      %dma_start3A_329 = arith.constant 1 : i32
      %dma_start3A_330 = tpu.memref_slice %arg9[%dma_start3A_329] : memref<4x!tpu.dma_semaphore, #tpu.memory_space<semaphore_mem>> -> memref<1x!tpu.dma_semaphore, #tpu.memory_space<semaphore_mem>>
      %dma_start3A_331 = tpu.memref_squeeze %dma_start3A_330 : memref<1x!tpu.dma_semaphore, #tpu.memory_space<semaphore_mem>> -> memref<!tpu.dma_semaphore, #tpu.memory_space<semaphore_mem>>
      %dma_start3A_332 = arith.constant 0 : i32
      %dma_start3A_333 = tpu.memref_slice %arg4[%add3A_327, %dma_start3A_332] : memref<8192x8192xf32, #tpu.memory_space<hbm>> -> memref<2x8192xf32, #tpu.memory_space<hbm>>
      %dma_start3A_334 = arith.constant 0 : i32
      %dma_start3A_335 = arith.constant 0 : i32
      %dma_start3A_336 = tpu.memref_slice %arg5[%arg1, %dma_start3A_328, %dma_start3A_334, %dma_start3A_335] : memref<16x4x2x8192xf32, #tpu.memory_space<vmem_shared>> -> memref<1x1x2x8192xf32, #tpu.memory_space<vmem_shared>>
      %dma_start3A_337 = tpu.memref_squeeze %dma_start3A_336 : memref<1x1x2x8192xf32, #tpu.memory_space<vmem_shared>> -> memref<2x8192xf32, #tpu.memory_space<vmem_shared>>
      tpu.enqueue_dma source(%dma_start3A_337 : memref<2x8192xf32, #tpu.memory_space<vmem_shared>>) target(%dma_start3A_333 : memref<2x8192xf32, #tpu.memory_space<hbm>>) target_semaphore(%dma_start3A_331 : memref<!tpu.dma_semaphore, #tpu.memory_space<semaphore_mem>>)
      %add3A_338 = arith.constant 2 : i32
      %add3A_339 = arith.addi %add3A_239, %add3A_338 : i32
      %lt3A_340 = arith.constant 128 : i32
      %lt3A_341 = arith.cmpi slt, %add3A_339, %lt3A_340 : i32
      %convert_element_type3A_342 = arith.extui %lt3A_341 : i1 to i32
      %cond3A_343 = arith.constant 0 : i32
      %cond3A_344 = arith.cmpi ne, %convert_element_type3A_342, %cond3A_343 : i32
      scf.if %cond3A_344 {
        %add3A_563 = arith.constant 2 : i32
        %add3A_564 = arith.addi %add3A_239, %add3A_563 : i32
        %ge3A = arith.constant 4 : i32
        %ge3A_565 = arith.cmpi sge, %add3A_564, %ge3A : i32
        %convert_element_type3A_566 = arith.extui %ge3A_565 : i1 to i32
        %cond3A_567 = arith.constant 0 : i32
        %cond3A_568 = arith.cmpi ne, %convert_element_type3A_566, %cond3A_567 : i32
        scf.if %cond3A_568 {
          %dma_wait3A_608 = arith.constant 3 : i32
          %dma_wait3A_609 = arith.constant 3 : i32
          %dma_wait3A_610 = tpu.memref_slice %arg9[%dma_wait3A_609] : memref<4x!tpu.dma_semaphore, #tpu.memory_space<semaphore_mem>> -> memref<1x!tpu.dma_semaphore, #tpu.memory_space<semaphore_mem>>
          %dma_wait3A_611 = tpu.memref_squeeze %dma_wait3A_610 : memref<1x!tpu.dma_semaphore, #tpu.memory_space<semaphore_mem>> -> memref<!tpu.dma_semaphore, #tpu.memory_space<semaphore_mem>>
          %dma_wait3A_612 = arith.constant 0 : i32
          %dma_wait3A_613 = tpu.memref_slice %arg4[%mul3A_2, %dma_wait3A_612] : memref<8192x8192xf32, #tpu.memory_space<hbm>> -> memref<2x8192xf32, #tpu.memory_space<hbm>>
          %dma_wait3A_614 = arith.constant 0 : i32
          %dma_wait3A_615 = arith.constant 0 : i32
          %dma_wait3A_616 = tpu.memref_slice %arg5[%arg1, %dma_wait3A_608, %dma_wait3A_614, %dma_wait3A_615] : memref<16x4x2x8192xf32, #tpu.memory_space<vmem_shared>> -> memref<1x1x2x8192xf32, #tpu.memory_space<vmem_shared>>
          %dma_wait3A_617 = tpu.memref_squeeze %dma_wait3A_616 : memref<1x1x2x8192xf32, #tpu.memory_space<vmem_shared>> -> memref<2x8192xf32, #tpu.memory_space<vmem_shared>>
          tpu.wait_dma2 semaphore(%dma_wait3A_611 : memref<!tpu.dma_semaphore, #tpu.memory_space<semaphore_mem>>) src(%dma_wait3A_617 : memref<2x8192xf32, #tpu.memory_space<vmem_shared>>) dst(%dma_wait3A_613 : memref<2x8192xf32, #tpu.memory_space<hbm>>)
        } else {
        }
        %add3A_569 = arith.constant 2 : i32
        %add3A_570 = arith.addi %add3A_239, %add3A_569 : i32
        %mul3A_571 = arith.constant 2 : i32
        %mul3A_572 = arith.muli %add3A_570, %mul3A_571 : i32
        %add3A_573 = arith.addi %mul3A_2, %mul3A_572 : i32
        %dma_start3A_574 = arith.constant 3 : i32
        %dma_start3A_575 = arith.constant 3 : i32
        %dma_start3A_576 = tpu.memref_slice %arg8[%dma_start3A_575] : memref<4x!tpu.dma_semaphore, #tpu.memory_space<semaphore_mem>> -> memref<1x!tpu.dma_semaphore, #tpu.memory_space<semaphore_mem>>
        %dma_start3A_577 = tpu.memref_squeeze %dma_start3A_576 : memref<1x!tpu.dma_semaphore, #tpu.memory_space<semaphore_mem>> -> memref<!tpu.dma_semaphore, #tpu.memory_space<semaphore_mem>>
        %dma_start3A_578 = arith.constant 0 : i32
        %dma_start3A_579 = arith.constant 0 : i32
        %dma_start3A_580 = tpu.memref_slice %arg5[%arg1, %dma_start3A_574, %dma_start3A_578, %dma_start3A_579] : memref<16x4x2x8192xf32, #tpu.memory_space<vmem_shared>> -> memref<1x1x2x8192xf32, #tpu.memory_space<vmem_shared>>
        %dma_start3A_581 = tpu.memref_squeeze %dma_start3A_580 : memref<1x1x2x8192xf32, #tpu.memory_space<vmem_shared>> -> memref<2x8192xf32, #tpu.memory_space<vmem_shared>>
        %dma_start3A_582 = arith.constant 0 : i32
        %dma_start3A_583 = tpu.memref_slice %arg2[%add3A_573, %dma_start3A_582] : memref<8192x8192xf32, #tpu.memory_space<hbm>> -> memref<2x8192xf32, #tpu.memory_space<hbm>>
        tpu.enqueue_dma source(%dma_start3A_583 : memref<2x8192xf32, #tpu.memory_space<hbm>>) target(%dma_start3A_581 : memref<2x8192xf32, #tpu.memory_space<vmem_shared>>) target_semaphore(%dma_start3A_577 : memref<!tpu.dma_semaphore, #tpu.memory_space<semaphore_mem>>)
        %mul3A_584 = arith.constant 2 : i32
        %mul3A_585 = arith.muli %add3A_570, %mul3A_584 : i32
        %add3A_586 = arith.addi %mul3A_2, %mul3A_585 : i32
        %rem3A_587 = arith.constant 128 : i32
        %rem3A_588 = arith.remsi %add3A_586, %rem3A_587 : i32
        %sub3A_589 = arith.subi %add3A_586, %rem3A_588 : i32
        %multiple_of3A_590 = tpu.assume_multiple %sub3A_589, 128 : i32
        %mul3A_591 = arith.constant 2 : i32
        %mul3A_592 = arith.muli %add3A_570, %mul3A_591 : i32
        %add3A_593 = arith.addi %mul3A_2, %mul3A_592 : i32
        %dma_start3A_594 = arith.constant 3 : i32
        %dma_start3A_595 = arith.constant 3 : i32
        %dma_start3A_596 = arith.constant 0 : i32
        %dma_start3A_597 = arith.constant 0 : i32
        %dma_start3A_598 = tpu.memref_slice %arg6[%dma_start3A_594, %dma_start3A_596, %dma_start3A_597] : memref<4x2x128xf32, #tpu.memory_space<vmem>> -> memref<1x2x128xf32, #tpu.memory_space<vmem>>
        %dma_start3A_599 = tpu.memref_squeeze %dma_start3A_598 : memref<1x2x128xf32, #tpu.memory_space<vmem>> -> memref<2x128xf32, #tpu.memory_space<vmem>>
        %dma_start3A_600 = tpu.memref_slice %arg2[%add3A_593, %multiple_of3A_590] : memref<8192x8192xf32, #tpu.memory_space<hbm>> -> memref<2x128xf32, #tpu.memory_space<hbm>>
        %dma_start3A_601 = tpu.memref_slice %arg10[%dma_start3A_595] : memref<4x!tpu.dma_semaphore, #tpu.memory_space<semaphore_mem>> -> memref<1x!tpu.dma_semaphore, #tpu.memory_space<semaphore_mem>>
        %dma_start3A_602 = tpu.memref_squeeze %dma_start3A_601 : memref<1x!tpu.dma_semaphore, #tpu.memory_space<semaphore_mem>> -> memref<!tpu.dma_semaphore, #tpu.memory_space<semaphore_mem>>
        %dma_start3A_603 = arith.constant 0 : i32
        %dma_start3A_604 = arith.constant 0 : i32
        %dma_start3A_605 = tpu.memref_slice %arg6[%dma_start3A_594, %dma_start3A_603, %dma_start3A_604] : memref<4x2x128xf32, #tpu.memory_space<vmem>> -> memref<1x2x128xf32, #tpu.memory_space<vmem>>
        %dma_start3A_606 = tpu.memref_squeeze %dma_start3A_605 : memref<1x2x128xf32, #tpu.memory_space<vmem>> -> memref<2x128xf32, #tpu.memory_space<vmem>>
        %dma_start3A_607 = tpu.memref_slice %arg2[%add3A_593, %multiple_of3A_590] : memref<8192x8192xf32, #tpu.memory_space<hbm>> -> memref<2x128xf32, #tpu.memory_space<hbm>>
        tpu.enqueue_dma source(%dma_start3A_607 : memref<2x128xf32, #tpu.memory_space<hbm>>) target(%dma_start3A_606 : memref<2x128xf32, #tpu.memory_space<vmem>>) target_semaphore(%dma_start3A_602 : memref<!tpu.dma_semaphore, #tpu.memory_space<semaphore_mem>>)
      } else {
      }
      %mul3A_345 = arith.constant 4 : i32
      %mul3A_346 = arith.muli %scan3A_130, %mul3A_345 : i32
      %add3A_347 = arith.constant 2 : i32
      %add3A_348 = arith.addi %mul3A_346, %add3A_347 : i32
      %dma_wait3A_349 = arith.constant 2 : i32
      %dma_wait3A_350 = arith.constant 2 : i32
      %dma_wait3A_351 = tpu.memref_slice %arg8[%dma_wait3A_350] : memref<4x!tpu.dma_semaphore, #tpu.memory_space<semaphore_mem>> -> memref<1x!tpu.dma_semaphore, #tpu.memory_space<semaphore_mem>>
      %dma_wait3A_352 = tpu.memref_squeeze %dma_wait3A_351 : memref<1x!tpu.dma_semaphore, #tpu.memory_space<semaphore_mem>> -> memref<!tpu.dma_semaphore, #tpu.memory_space<semaphore_mem>>
      %dma_wait3A_353 = arith.constant 0 : i32
      %dma_wait3A_354 = arith.constant 0 : i32
      %dma_wait3A_355 = tpu.memref_slice %arg5[%arg1, %dma_wait3A_349, %dma_wait3A_353, %dma_wait3A_354] : memref<16x4x2x8192xf32, #tpu.memory_space<vmem_shared>> -> memref<1x1x2x8192xf32, #tpu.memory_space<vmem_shared>>
      %dma_wait3A_356 = tpu.memref_squeeze %dma_wait3A_355 : memref<1x1x2x8192xf32, #tpu.memory_space<vmem_shared>> -> memref<2x8192xf32, #tpu.memory_space<vmem_shared>>
      %dma_wait3A_357 = arith.constant 0 : i32
      %dma_wait3A_358 = tpu.memref_slice %arg2[%mul3A_2, %dma_wait3A_357] : memref<8192x8192xf32, #tpu.memory_space<hbm>> -> memref<2x8192xf32, #tpu.memory_space<hbm>>
      tpu.wait_dma2 semaphore(%dma_wait3A_352 : memref<!tpu.dma_semaphore, #tpu.memory_space<semaphore_mem>>) src(%dma_wait3A_358 : memref<2x8192xf32, #tpu.memory_space<hbm>>) dst(%dma_wait3A_356 : memref<2x8192xf32, #tpu.memory_space<vmem_shared>>)
      %dma_wait3A_359 = arith.constant 2 : i32
      %dma_wait3A_360 = arith.constant 2 : i32
      %dma_wait3A_361 = arith.constant 0 : i32
      %dma_wait3A_362 = arith.constant 0 : i32
      %dma_wait3A_363 = tpu.memref_slice %arg6[%dma_wait3A_359, %dma_wait3A_361, %dma_wait3A_362] : memref<4x2x128xf32, #tpu.memory_space<vmem>> -> memref<1x2x128xf32, #tpu.memory_space<vmem>>
      %dma_wait3A_364 = tpu.memref_squeeze %dma_wait3A_363 : memref<1x2x128xf32, #tpu.memory_space<vmem>> -> memref<2x128xf32, #tpu.memory_space<vmem>>
      %dma_wait3A_365 = arith.constant 0 : i32
      %dma_wait3A_366 = tpu.memref_slice %arg2[%mul3A_2, %dma_wait3A_365] : memref<8192x8192xf32, #tpu.memory_space<hbm>> -> memref<2x128xf32, #tpu.memory_space<hbm>>
      %dma_wait3A_367 = tpu.memref_slice %arg10[%dma_wait3A_360] : memref<4x!tpu.dma_semaphore, #tpu.memory_space<semaphore_mem>> -> memref<1x!tpu.dma_semaphore, #tpu.memory_space<semaphore_mem>>
      %dma_wait3A_368 = tpu.memref_squeeze %dma_wait3A_367 : memref<1x!tpu.dma_semaphore, #tpu.memory_space<semaphore_mem>> -> memref<!tpu.dma_semaphore, #tpu.memory_space<semaphore_mem>>
      %dma_wait3A_369 = arith.constant 0 : i32
      %dma_wait3A_370 = arith.constant 0 : i32
      %dma_wait3A_371 = tpu.memref_slice %arg6[%dma_wait3A_359, %dma_wait3A_369, %dma_wait3A_370] : memref<4x2x128xf32, #tpu.memory_space<vmem>> -> memref<1x2x128xf32, #tpu.memory_space<vmem>>
      %dma_wait3A_372 = tpu.memref_squeeze %dma_wait3A_371 : memref<1x2x128xf32, #tpu.memory_space<vmem>> -> memref<2x128xf32, #tpu.memory_space<vmem>>
      %dma_wait3A_373 = arith.constant 0 : i32
      %dma_wait3A_374 = tpu.memref_slice %arg2[%mul3A_2, %dma_wait3A_373] : memref<8192x8192xf32, #tpu.memory_space<hbm>> -> memref<2x128xf32, #tpu.memory_space<hbm>>
      tpu.wait_dma2 semaphore(%dma_wait3A_368 : memref<!tpu.dma_semaphore, #tpu.memory_space<semaphore_mem>>) src(%dma_wait3A_374 : memref<2x128xf32, #tpu.memory_space<hbm>>) dst(%dma_wait3A_372 : memref<2x128xf32, #tpu.memory_space<vmem>>)
      %mul3A_375 = arith.constant 2 : i32
      %mul3A_376 = arith.muli %add3A_348, %mul3A_375 : i32
      %add3A_377 = arith.addi %mul3A_2, %mul3A_376 : i32
      %rem3A_378 = arith.constant 128 : i32
      %rem3A_379 = arith.remsi %add3A_377, %rem3A_378 : i32
      %sub3A_380 = arith.subi %add3A_377, %rem3A_379 : i32
      %multiple_of3A_381 = tpu.assume_multiple %sub3A_380, 128 : i32
      %mul3A_382 = arith.constant 2 : i32
      %mul3A_383 = arith.muli %add3A_348, %mul3A_382 : i32
      %add3A_384 = vector.broadcast %mul3A_383 : i32 to vector<16xi32>
      %add3A_385 = arith.addi %add3A_384, %iota3A : vector<16xi32>
      %gather3A_386 = tpu.vector_load_idx %arg7[%add3A_385] : memref<272xf32, #tpu.memory_space<vmem>>[vector<16xi32>], vector<16xf32>,
      %add3A_387 = vector.broadcast %rem3A_379 : i32 to vector<16xi32>
      %add3A_388 = arith.addi %add3A_387, %iota3A : vector<16xi32>
      %scatter3A_389 = arith.constant 2 : i32
      %scatter3A_390 = arith.constant 0 : i32
      %scatter3A_391 = arith.constant 0 : i32
      %scatter3A_392 = tpu.memref_slice %arg6[%scatter3A_389, %scatter3A_390, %scatter3A_391] : memref<4x2x128xf32, #tpu.memory_space<vmem>> -> memref<1x2x128xf32, #tpu.memory_space<vmem>>
      %scatter3A_393 = tpu.memref_squeeze %scatter3A_392 : memref<1x2x128xf32, #tpu.memory_space<vmem>> -> memref<2x128xf32, #tpu.memory_space<vmem>>
      tpu.vector_store_idx %scatter3A_393[%iota3A, %add3A_388], %gather3A_386 masked %lt3A_85 {add = true} : memref<2x128xf32, #tpu.memory_space<vmem>>[vector<16xi32>, vector<16xi32>], vector<16xf32>, vector<16xi1>
      %dma_start3A_394 = arith.constant 2 : i32
      %dma_start3A_395 = arith.constant 2 : i32
      %dma_start3A_396 = arith.constant 2 : i32
      %dma_start3A_397 = arith.constant 0 : i32
      %dma_start3A_398 = arith.constant 0 : i32
      %dma_start3A_399 = tpu.memref_slice %arg6[%dma_start3A_394, %dma_start3A_397, %dma_start3A_398] : memref<4x2x128xf32, #tpu.memory_space<vmem>> -> memref<1x2x128xf32, #tpu.memory_space<vmem>>
      %dma_start3A_400 = tpu.memref_squeeze %dma_start3A_399 : memref<1x2x128xf32, #tpu.memory_space<vmem>> -> memref<2x128xf32, #tpu.memory_space<vmem>>
      %dma_start3A_401 = arith.constant 0 : i32
      %dma_start3A_402 = tpu.memref_slice %arg5[%arg1, %dma_start3A_395, %dma_start3A_401, %multiple_of3A_381] : memref<16x4x2x8192xf32, #tpu.memory_space<vmem_shared>> -> memref<1x1x2x128xf32, #tpu.memory_space<vmem_shared>>
      %dma_start3A_403 = tpu.memref_squeeze %dma_start3A_402 : memref<1x1x2x128xf32, #tpu.memory_space<vmem_shared>> -> memref<2x128xf32, #tpu.memory_space<vmem_shared>>
      %dma_start3A_404 = tpu.memref_slice %arg11[%dma_start3A_396] : memref<4x!tpu.dma_semaphore, #tpu.memory_space<semaphore_mem>> -> memref<1x!tpu.dma_semaphore, #tpu.memory_space<semaphore_mem>>
      %dma_start3A_405 = tpu.memref_squeeze %dma_start3A_404 : memref<1x!tpu.dma_semaphore, #tpu.memory_space<semaphore_mem>> -> memref<!tpu.dma_semaphore, #tpu.memory_space<semaphore_mem>>
      %dma_start3A_406 = arith.constant 0 : i32
      %dma_start3A_407 = tpu.memref_slice %arg5[%arg1, %dma_start3A_395, %dma_start3A_406, %multiple_of3A_381] : memref<16x4x2x8192xf32, #tpu.memory_space<vmem_shared>> -> memref<1x1x2x128xf32, #tpu.memory_space<vmem_shared>>
      %dma_start3A_408 = tpu.memref_squeeze %dma_start3A_407 : memref<1x1x2x128xf32, #tpu.memory_space<vmem_shared>> -> memref<2x128xf32, #tpu.memory_space<vmem_shared>>
      %dma_start3A_409 = arith.constant 0 : i32
      %dma_start3A_410 = arith.constant 0 : i32
      %dma_start3A_411 = tpu.memref_slice %arg6[%dma_start3A_394, %dma_start3A_409, %dma_start3A_410] : memref<4x2x128xf32, #tpu.memory_space<vmem>> -> memref<1x2x128xf32, #tpu.memory_space<vmem>>
      %dma_start3A_412 = tpu.memref_squeeze %dma_start3A_411 : memref<1x2x128xf32, #tpu.memory_space<vmem>> -> memref<2x128xf32, #tpu.memory_space<vmem>>
      tpu.enqueue_dma source(%dma_start3A_412 : memref<2x128xf32, #tpu.memory_space<vmem>>) target(%dma_start3A_408 : memref<2x128xf32, #tpu.memory_space<vmem_shared>>) target_semaphore(%dma_start3A_405 : memref<!tpu.dma_semaphore, #tpu.memory_space<semaphore_mem>>)
      %dma_wait3A_413 = arith.constant 2 : i32
      %dma_wait3A_414 = arith.constant 2 : i32
      %dma_wait3A_415 = arith.constant 2 : i32
      %dma_wait3A_416 = arith.constant 0 : i32
      %dma_wait3A_417 = arith.constant 0 : i32
      %dma_wait3A_418 = tpu.memref_slice %arg6[%dma_wait3A_413, %dma_wait3A_416, %dma_wait3A_417] : memref<4x2x128xf32, #tpu.memory_space<vmem>> -> memref<1x2x128xf32, #tpu.memory_space<vmem>>
      %dma_wait3A_419 = tpu.memref_squeeze %dma_wait3A_418 : memref<1x2x128xf32, #tpu.memory_space<vmem>> -> memref<2x128xf32, #tpu.memory_space<vmem>>
      %dma_wait3A_420 = arith.constant 0 : i32
      %dma_wait3A_421 = arith.constant 0 : i32
      %dma_wait3A_422 = tpu.memref_slice %arg5[%arg1, %dma_wait3A_414, %dma_wait3A_420, %dma_wait3A_421] : memref<16x4x2x8192xf32, #tpu.memory_space<vmem_shared>> -> memref<1x1x2x128xf32, #tpu.memory_space<vmem_shared>>
      %dma_wait3A_423 = tpu.memref_squeeze %dma_wait3A_422 : memref<1x1x2x128xf32, #tpu.memory_space<vmem_shared>> -> memref<2x128xf32, #tpu.memory_space<vmem_shared>>
      %dma_wait3A_424 = tpu.memref_slice %arg11[%dma_wait3A_415] : memref<4x!tpu.dma_semaphore, #tpu.memory_space<semaphore_mem>> -> memref<1x!tpu.dma_semaphore, #tpu.memory_space<semaphore_mem>>
      %dma_wait3A_425 = tpu.memref_squeeze %dma_wait3A_424 : memref<1x!tpu.dma_semaphore, #tpu.memory_space<semaphore_mem>> -> memref<!tpu.dma_semaphore, #tpu.memory_space<semaphore_mem>>
      %dma_wait3A_426 = arith.constant 0 : i32
      %dma_wait3A_427 = arith.constant 0 : i32
      %dma_wait3A_428 = tpu.memref_slice %arg5[%arg1, %dma_wait3A_414, %dma_wait3A_426, %dma_wait3A_427] : memref<16x4x2x8192xf32, #tpu.memory_space<vmem_shared>> -> memref<1x1x2x128xf32, #tpu.memory_space<vmem_shared>>
      %dma_wait3A_429 = tpu.memref_squeeze %dma_wait3A_428 : memref<1x1x2x128xf32, #tpu.memory_space<vmem_shared>> -> memref<2x128xf32, #tpu.memory_space<vmem_shared>>
      %dma_wait3A_430 = arith.constant 0 : i32
      %dma_wait3A_431 = arith.constant 0 : i32
      %dma_wait3A_432 = tpu.memref_slice %arg6[%dma_wait3A_413, %dma_wait3A_430, %dma_wait3A_431] : memref<4x2x128xf32, #tpu.memory_space<vmem>> -> memref<1x2x128xf32, #tpu.memory_space<vmem>>
      %dma_wait3A_433 = tpu.memref_squeeze %dma_wait3A_432 : memref<1x2x128xf32, #tpu.memory_space<vmem>> -> memref<2x128xf32, #tpu.memory_space<vmem>>
      tpu.wait_dma2 semaphore(%dma_wait3A_425 : memref<!tpu.dma_semaphore, #tpu.memory_space<semaphore_mem>>) src(%dma_wait3A_433 : memref<2x128xf32, #tpu.memory_space<vmem>>) dst(%dma_wait3A_429 : memref<2x128xf32, #tpu.memory_space<vmem_shared>>)
      %mul3A_434 = arith.constant 2 : i32
      %mul3A_435 = arith.muli %add3A_348, %mul3A_434 : i32
      %add3A_436 = arith.addi %mul3A_2, %mul3A_435 : i32
      %dma_start3A_437 = arith.constant 2 : i32
      %dma_start3A_438 = arith.constant 2 : i32
      %dma_start3A_439 = tpu.memref_slice %arg9[%dma_start3A_438] : memref<4x!tpu.dma_semaphore, #tpu.memory_space<semaphore_mem>> -> memref<1x!tpu.dma_semaphore, #tpu.memory_space<semaphore_mem>>
      %dma_start3A_440 = tpu.memref_squeeze %dma_start3A_439 : memref<1x!tpu.dma_semaphore, #tpu.memory_space<semaphore_mem>> -> memref<!tpu.dma_semaphore, #tpu.memory_space<semaphore_mem>>
      %dma_start3A_441 = arith.constant 0 : i32
      %dma_start3A_442 = tpu.memref_slice %arg4[%add3A_436, %dma_start3A_441] : memref<8192x8192xf32, #tpu.memory_space<hbm>> -> memref<2x8192xf32, #tpu.memory_space<hbm>>
      %dma_start3A_443 = arith.constant 0 : i32
      %dma_start3A_444 = arith.constant 0 : i32
      %dma_start3A_445 = tpu.memref_slice %arg5[%arg1, %dma_start3A_437, %dma_start3A_443, %dma_start3A_444] : memref<16x4x2x8192xf32, #tpu.memory_space<vmem_shared>> -> memref<1x1x2x8192xf32, #tpu.memory_space<vmem_shared>>
      %dma_start3A_446 = tpu.memref_squeeze %dma_start3A_445 : memref<1x1x2x8192xf32, #tpu.memory_space<vmem_shared>> -> memref<2x8192xf32, #tpu.memory_space<vmem_shared>>
      tpu.enqueue_dma source(%dma_start3A_446 : memref<2x8192xf32, #tpu.memory_space<vmem_shared>>) target(%dma_start3A_442 : memref<2x8192xf32, #tpu.memory_space<hbm>>) target_semaphore(%dma_start3A_440 : memref<!tpu.dma_semaphore, #tpu.memory_space<semaphore_mem>>)
      %add3A_447 = arith.constant 2 : i32
      %add3A_448 = arith.addi %add3A_348, %add3A_447 : i32
      %lt3A_449 = arith.constant 128 : i32
      %lt3A_450 = arith.cmpi slt, %add3A_448, %lt3A_449 : i32
      %convert_element_type3A_451 = arith.extui %lt3A_450 : i1 to i32
      %cond3A_452 = arith.constant 0 : i32
      %cond3A_453 = arith.cmpi ne, %convert_element_type3A_451, %cond3A_452 : i32
      scf.if %cond3A_453 {
        %add3A_563 = arith.constant 2 : i32
        %add3A_564 = arith.addi %add3A_348, %add3A_563 : i32
        %ge3A = arith.constant 4 : i32
        %ge3A_565 = arith.cmpi sge, %add3A_564, %ge3A : i32
        %convert_element_type3A_566 = arith.extui %ge3A_565 : i1 to i32
        %cond3A_567 = arith.constant 0 : i32
        %cond3A_568 = arith.cmpi ne, %convert_element_type3A_566, %cond3A_567 : i32
        scf.if %cond3A_568 {
          %dma_wait3A_608 = arith.constant 0 : i32
          %dma_wait3A_609 = arith.constant 0 : i32
          %dma_wait3A_610 = tpu.memref_slice %arg9[%dma_wait3A_609] : memref<4x!tpu.dma_semaphore, #tpu.memory_space<semaphore_mem>> -> memref<1x!tpu.dma_semaphore, #tpu.memory_space<semaphore_mem>>
          %dma_wait3A_611 = tpu.memref_squeeze %dma_wait3A_610 : memref<1x!tpu.dma_semaphore, #tpu.memory_space<semaphore_mem>> -> memref<!tpu.dma_semaphore, #tpu.memory_space<semaphore_mem>>
          %dma_wait3A_612 = arith.constant 0 : i32
          %dma_wait3A_613 = tpu.memref_slice %arg4[%mul3A_2, %dma_wait3A_612] : memref<8192x8192xf32, #tpu.memory_space<hbm>> -> memref<2x8192xf32, #tpu.memory_space<hbm>>
          %dma_wait3A_614 = arith.constant 0 : i32
          %dma_wait3A_615 = arith.constant 0 : i32
          %dma_wait3A_616 = tpu.memref_slice %arg5[%arg1, %dma_wait3A_608, %dma_wait3A_614, %dma_wait3A_615] : memref<16x4x2x8192xf32, #tpu.memory_space<vmem_shared>> -> memref<1x1x2x8192xf32, #tpu.memory_space<vmem_shared>>
          %dma_wait3A_617 = tpu.memref_squeeze %dma_wait3A_616 : memref<1x1x2x8192xf32, #tpu.memory_space<vmem_shared>> -> memref<2x8192xf32, #tpu.memory_space<vmem_shared>>
          tpu.wait_dma2 semaphore(%dma_wait3A_611 : memref<!tpu.dma_semaphore, #tpu.memory_space<semaphore_mem>>) src(%dma_wait3A_617 : memref<2x8192xf32, #tpu.memory_space<vmem_shared>>) dst(%dma_wait3A_613 : memref<2x8192xf32, #tpu.memory_space<hbm>>)
        } else {
        }
        %add3A_569 = arith.constant 2 : i32
        %add3A_570 = arith.addi %add3A_348, %add3A_569 : i32
        %mul3A_571 = arith.constant 2 : i32
        %mul3A_572 = arith.muli %add3A_570, %mul3A_571 : i32
        %add3A_573 = arith.addi %mul3A_2, %mul3A_572 : i32
        %dma_start3A_574 = arith.constant 0 : i32
        %dma_start3A_575 = arith.constant 0 : i32
        %dma_start3A_576 = tpu.memref_slice %arg8[%dma_start3A_575] : memref<4x!tpu.dma_semaphore, #tpu.memory_space<semaphore_mem>> -> memref<1x!tpu.dma_semaphore, #tpu.memory_space<semaphore_mem>>
        %dma_start3A_577 = tpu.memref_squeeze %dma_start3A_576 : memref<1x!tpu.dma_semaphore, #tpu.memory_space<semaphore_mem>> -> memref<!tpu.dma_semaphore, #tpu.memory_space<semaphore_mem>>
        %dma_start3A_578 = arith.constant 0 : i32
        %dma_start3A_579 = arith.constant 0 : i32
        %dma_start3A_580 = tpu.memref_slice %arg5[%arg1, %dma_start3A_574, %dma_start3A_578, %dma_start3A_579] : memref<16x4x2x8192xf32, #tpu.memory_space<vmem_shared>> -> memref<1x1x2x8192xf32, #tpu.memory_space<vmem_shared>>
        %dma_start3A_581 = tpu.memref_squeeze %dma_start3A_580 : memref<1x1x2x8192xf32, #tpu.memory_space<vmem_shared>> -> memref<2x8192xf32, #tpu.memory_space<vmem_shared>>
        %dma_start3A_582 = arith.constant 0 : i32
        %dma_start3A_583 = tpu.memref_slice %arg2[%add3A_573, %dma_start3A_582] : memref<8192x8192xf32, #tpu.memory_space<hbm>> -> memref<2x8192xf32, #tpu.memory_space<hbm>>
        tpu.enqueue_dma source(%dma_start3A_583 : memref<2x8192xf32, #tpu.memory_space<hbm>>) target(%dma_start3A_581 : memref<2x8192xf32, #tpu.memory_space<vmem_shared>>) target_semaphore(%dma_start3A_577 : memref<!tpu.dma_semaphore, #tpu.memory_space<semaphore_mem>>)
        %mul3A_584 = arith.constant 2 : i32
        %mul3A_585 = arith.muli %add3A_570, %mul3A_584 : i32
        %add3A_586 = arith.addi %mul3A_2, %mul3A_585 : i32
        %rem3A_587 = arith.constant 128 : i32
        %rem3A_588 = arith.remsi %add3A_586, %rem3A_587 : i32
        %sub3A_589 = arith.subi %add3A_586, %rem3A_588 : i32
        %multiple_of3A_590 = tpu.assume_multiple %sub3A_589, 128 : i32
        %mul3A_591 = arith.constant 2 : i32
        %mul3A_592 = arith.muli %add3A_570, %mul3A_591 : i32
        %add3A_593 = arith.addi %mul3A_2, %mul3A_592 : i32
        %dma_start3A_594 = arith.constant 0 : i32
        %dma_start3A_595 = arith.constant 0 : i32
        %dma_start3A_596 = arith.constant 0 : i32
        %dma_start3A_597 = arith.constant 0 : i32
        %dma_start3A_598 = tpu.memref_slice %arg6[%dma_start3A_594, %dma_start3A_596, %dma_start3A_597] : memref<4x2x128xf32, #tpu.memory_space<vmem>> -> memref<1x2x128xf32, #tpu.memory_space<vmem>>
        %dma_start3A_599 = tpu.memref_squeeze %dma_start3A_598 : memref<1x2x128xf32, #tpu.memory_space<vmem>> -> memref<2x128xf32, #tpu.memory_space<vmem>>
        %dma_start3A_600 = tpu.memref_slice %arg2[%add3A_593, %multiple_of3A_590] : memref<8192x8192xf32, #tpu.memory_space<hbm>> -> memref<2x128xf32, #tpu.memory_space<hbm>>
        %dma_start3A_601 = tpu.memref_slice %arg10[%dma_start3A_595] : memref<4x!tpu.dma_semaphore, #tpu.memory_space<semaphore_mem>> -> memref<1x!tpu.dma_semaphore, #tpu.memory_space<semaphore_mem>>
        %dma_start3A_602 = tpu.memref_squeeze %dma_start3A_601 : memref<1x!tpu.dma_semaphore, #tpu.memory_space<semaphore_mem>> -> memref<!tpu.dma_semaphore, #tpu.memory_space<semaphore_mem>>
        %dma_start3A_603 = arith.constant 0 : i32
        %dma_start3A_604 = arith.constant 0 : i32
        %dma_start3A_605 = tpu.memref_slice %arg6[%dma_start3A_594, %dma_start3A_603, %dma_start3A_604] : memref<4x2x128xf32, #tpu.memory_space<vmem>> -> memref<1x2x128xf32, #tpu.memory_space<vmem>>
        %dma_start3A_606 = tpu.memref_squeeze %dma_start3A_605 : memref<1x2x128xf32, #tpu.memory_space<vmem>> -> memref<2x128xf32, #tpu.memory_space<vmem>>
        %dma_start3A_607 = tpu.memref_slice %arg2[%add3A_593, %multiple_of3A_590] : memref<8192x8192xf32, #tpu.memory_space<hbm>> -> memref<2x128xf32, #tpu.memory_space<hbm>>
        tpu.enqueue_dma source(%dma_start3A_607 : memref<2x128xf32, #tpu.memory_space<hbm>>) target(%dma_start3A_606 : memref<2x128xf32, #tpu.memory_space<vmem>>) target_semaphore(%dma_start3A_602 : memref<!tpu.dma_semaphore, #tpu.memory_space<semaphore_mem>>)
      } else {
      }
      %mul3A_454 = arith.constant 4 : i32
      %mul3A_455 = arith.muli %scan3A_130, %mul3A_454 : i32
      %add3A_456 = arith.constant 3 : i32
      %add3A_457 = arith.addi %mul3A_455, %add3A_456 : i32
      %dma_wait3A_458 = arith.constant 3 : i32
      %dma_wait3A_459 = arith.constant 3 : i32
      %dma_wait3A_460 = tpu.memref_slice %arg8[%dma_wait3A_459] : memref<4x!tpu.dma_semaphore, #tpu.memory_space<semaphore_mem>> -> memref<1x!tpu.dma_semaphore, #tpu.memory_space<semaphore_mem>>
      %dma_wait3A_461 = tpu.memref_squeeze %dma_wait3A_460 : memref<1x!tpu.dma_semaphore, #tpu.memory_space<semaphore_mem>> -> memref<!tpu.dma_semaphore, #tpu.memory_space<semaphore_mem>>
      %dma_wait3A_462 = arith.constant 0 : i32
      %dma_wait3A_463 = arith.constant 0 : i32
      %dma_wait3A_464 = tpu.memref_slice %arg5[%arg1, %dma_wait3A_458, %dma_wait3A_462, %dma_wait3A_463] : memref<16x4x2x8192xf32, #tpu.memory_space<vmem_shared>> -> memref<1x1x2x8192xf32, #tpu.memory_space<vmem_shared>>
      %dma_wait3A_465 = tpu.memref_squeeze %dma_wait3A_464 : memref<1x1x2x8192xf32, #tpu.memory_space<vmem_shared>> -> memref<2x8192xf32, #tpu.memory_space<vmem_shared>>
      %dma_wait3A_466 = arith.constant 0 : i32
      %dma_wait3A_467 = tpu.memref_slice %arg2[%mul3A_2, %dma_wait3A_466] : memref<8192x8192xf32, #tpu.memory_space<hbm>> -> memref<2x8192xf32, #tpu.memory_space<hbm>>
      tpu.wait_dma2 semaphore(%dma_wait3A_461 : memref<!tpu.dma_semaphore, #tpu.memory_space<semaphore_mem>>) src(%dma_wait3A_467 : memref<2x8192xf32, #tpu.memory_space<hbm>>) dst(%dma_wait3A_465 : memref<2x8192xf32, #tpu.memory_space<vmem_shared>>)
      %dma_wait3A_468 = arith.constant 3 : i32
      %dma_wait3A_469 = arith.constant 3 : i32
      %dma_wait3A_470 = arith.constant 0 : i32
      %dma_wait3A_471 = arith.constant 0 : i32
      %dma_wait3A_472 = tpu.memref_slice %arg6[%dma_wait3A_468, %dma_wait3A_470, %dma_wait3A_471] : memref<4x2x128xf32, #tpu.memory_space<vmem>> -> memref<1x2x128xf32, #tpu.memory_space<vmem>>
      %dma_wait3A_473 = tpu.memref_squeeze %dma_wait3A_472 : memref<1x2x128xf32, #tpu.memory_space<vmem>> -> memref<2x128xf32, #tpu.memory_space<vmem>>
      %dma_wait3A_474 = arith.constant 0 : i32
      %dma_wait3A_475 = tpu.memref_slice %arg2[%mul3A_2, %dma_wait3A_474] : memref<8192x8192xf32, #tpu.memory_space<hbm>> -> memref<2x128xf32, #tpu.memory_space<hbm>>
      %dma_wait3A_476 = tpu.memref_slice %arg10[%dma_wait3A_469] : memref<4x!tpu.dma_semaphore, #tpu.memory_space<semaphore_mem>> -> memref<1x!tpu.dma_semaphore, #tpu.memory_space<semaphore_mem>>
      %dma_wait3A_477 = tpu.memref_squeeze %dma_wait3A_476 : memref<1x!tpu.dma_semaphore, #tpu.memory_space<semaphore_mem>> -> memref<!tpu.dma_semaphore, #tpu.memory_space<semaphore_mem>>
      %dma_wait3A_478 = arith.constant 0 : i32
      %dma_wait3A_479 = arith.constant 0 : i32
      %dma_wait3A_480 = tpu.memref_slice %arg6[%dma_wait3A_468, %dma_wait3A_478, %dma_wait3A_479] : memref<4x2x128xf32, #tpu.memory_space<vmem>> -> memref<1x2x128xf32, #tpu.memory_space<vmem>>
      %dma_wait3A_481 = tpu.memref_squeeze %dma_wait3A_480 : memref<1x2x128xf32, #tpu.memory_space<vmem>> -> memref<2x128xf32, #tpu.memory_space<vmem>>
      %dma_wait3A_482 = arith.constant 0 : i32
      %dma_wait3A_483 = tpu.memref_slice %arg2[%mul3A_2, %dma_wait3A_482] : memref<8192x8192xf32, #tpu.memory_space<hbm>> -> memref<2x128xf32, #tpu.memory_space<hbm>>
      tpu.wait_dma2 semaphore(%dma_wait3A_477 : memref<!tpu.dma_semaphore, #tpu.memory_space<semaphore_mem>>) src(%dma_wait3A_483 : memref<2x128xf32, #tpu.memory_space<hbm>>) dst(%dma_wait3A_481 : memref<2x128xf32, #tpu.memory_space<vmem>>)
      %mul3A_484 = arith.constant 2 : i32
      %mul3A_485 = arith.muli %add3A_457, %mul3A_484 : i32
      %add3A_486 = arith.addi %mul3A_2, %mul3A_485 : i32
      %rem3A_487 = arith.constant 128 : i32
      %rem3A_488 = arith.remsi %add3A_486, %rem3A_487 : i32
      %sub3A_489 = arith.subi %add3A_486, %rem3A_488 : i32
      %multiple_of3A_490 = tpu.assume_multiple %sub3A_489, 128 : i32
      %mul3A_491 = arith.constant 2 : i32
      %mul3A_492 = arith.muli %add3A_457, %mul3A_491 : i32
      %add3A_493 = vector.broadcast %mul3A_492 : i32 to vector<16xi32>
      %add3A_494 = arith.addi %add3A_493, %iota3A : vector<16xi32>
      %gather3A_495 = tpu.vector_load_idx %arg7[%add3A_494] : memref<272xf32, #tpu.memory_space<vmem>>[vector<16xi32>], vector<16xf32>,
      %add3A_496 = vector.broadcast %rem3A_488 : i32 to vector<16xi32>
      %add3A_497 = arith.addi %add3A_496, %iota3A : vector<16xi32>
      %scatter3A_498 = arith.constant 3 : i32
      %scatter3A_499 = arith.constant 0 : i32
      %scatter3A_500 = arith.constant 0 : i32
      %scatter3A_501 = tpu.memref_slice %arg6[%scatter3A_498, %scatter3A_499, %scatter3A_500] : memref<4x2x128xf32, #tpu.memory_space<vmem>> -> memref<1x2x128xf32, #tpu.memory_space<vmem>>
      %scatter3A_502 = tpu.memref_squeeze %scatter3A_501 : memref<1x2x128xf32, #tpu.memory_space<vmem>> -> memref<2x128xf32, #tpu.memory_space<vmem>>
      tpu.vector_store_idx %scatter3A_502[%iota3A, %add3A_497], %gather3A_495 masked %lt3A_85 {add = true} : memref<2x128xf32, #tpu.memory_space<vmem>>[vector<16xi32>, vector<16xi32>], vector<16xf32>, vector<16xi1>
      %dma_start3A_503 = arith.constant 3 : i32
      %dma_start3A_504 = arith.constant 3 : i32
      %dma_start3A_505 = arith.constant 3 : i32
      %dma_start3A_506 = arith.constant 0 : i32
      %dma_start3A_507 = arith.constant 0 : i32
      %dma_start3A_508 = tpu.memref_slice %arg6[%dma_start3A_503, %dma_start3A_506, %dma_start3A_507] : memref<4x2x128xf32, #tpu.memory_space<vmem>> -> memref<1x2x128xf32, #tpu.memory_space<vmem>>
      %dma_start3A_509 = tpu.memref_squeeze %dma_start3A_508 : memref<1x2x128xf32, #tpu.memory_space<vmem>> -> memref<2x128xf32, #tpu.memory_space<vmem>>
      %dma_start3A_510 = arith.constant 0 : i32
      %dma_start3A_511 = tpu.memref_slice %arg5[%arg1, %dma_start3A_504, %dma_start3A_510, %multiple_of3A_490] : memref<16x4x2x8192xf32, #tpu.memory_space<vmem_shared>> -> memref<1x1x2x128xf32, #tpu.memory_space<vmem_shared>>
      %dma_start3A_512 = tpu.memref_squeeze %dma_start3A_511 : memref<1x1x2x128xf32, #tpu.memory_space<vmem_shared>> -> memref<2x128xf32, #tpu.memory_space<vmem_shared>>
      %dma_start3A_513 = tpu.memref_slice %arg11[%dma_start3A_505] : memref<4x!tpu.dma_semaphore, #tpu.memory_space<semaphore_mem>> -> memref<1x!tpu.dma_semaphore, #tpu.memory_space<semaphore_mem>>
      %dma_start3A_514 = tpu.memref_squeeze %dma_start3A_513 : memref<1x!tpu.dma_semaphore, #tpu.memory_space<semaphore_mem>> -> memref<!tpu.dma_semaphore, #tpu.memory_space<semaphore_mem>>
      %dma_start3A_515 = arith.constant 0 : i32
      %dma_start3A_516 = tpu.memref_slice %arg5[%arg1, %dma_start3A_504, %dma_start3A_515, %multiple_of3A_490] : memref<16x4x2x8192xf32, #tpu.memory_space<vmem_shared>> -> memref<1x1x2x128xf32, #tpu.memory_space<vmem_shared>>
      %dma_start3A_517 = tpu.memref_squeeze %dma_start3A_516 : memref<1x1x2x128xf32, #tpu.memory_space<vmem_shared>> -> memref<2x128xf32, #tpu.memory_space<vmem_shared>>
      %dma_start3A_518 = arith.constant 0 : i32
      %dma_start3A_519 = arith.constant 0 : i32
      %dma_start3A_520 = tpu.memref_slice %arg6[%dma_start3A_503, %dma_start3A_518, %dma_start3A_519] : memref<4x2x128xf32, #tpu.memory_space<vmem>> -> memref<1x2x128xf32, #tpu.memory_space<vmem>>
      %dma_start3A_521 = tpu.memref_squeeze %dma_start3A_520 : memref<1x2x128xf32, #tpu.memory_space<vmem>> -> memref<2x128xf32, #tpu.memory_space<vmem>>
      tpu.enqueue_dma source(%dma_start3A_521 : memref<2x128xf32, #tpu.memory_space<vmem>>) target(%dma_start3A_517 : memref<2x128xf32, #tpu.memory_space<vmem_shared>>) target_semaphore(%dma_start3A_514 : memref<!tpu.dma_semaphore, #tpu.memory_space<semaphore_mem>>)
      %dma_wait3A_522 = arith.constant 3 : i32
      %dma_wait3A_523 = arith.constant 3 : i32
      %dma_wait3A_524 = arith.constant 3 : i32
      %dma_wait3A_525 = arith.constant 0 : i32
      %dma_wait3A_526 = arith.constant 0 : i32
      %dma_wait3A_527 = tpu.memref_slice %arg6[%dma_wait3A_522, %dma_wait3A_525, %dma_wait3A_526] : memref<4x2x128xf32, #tpu.memory_space<vmem>> -> memref<1x2x128xf32, #tpu.memory_space<vmem>>
      %dma_wait3A_528 = tpu.memref_squeeze %dma_wait3A_527 : memref<1x2x128xf32, #tpu.memory_space<vmem>> -> memref<2x128xf32, #tpu.memory_space<vmem>>
      %dma_wait3A_529 = arith.constant 0 : i32
      %dma_wait3A_530 = arith.constant 0 : i32
      %dma_wait3A_531 = tpu.memref_slice %arg5[%arg1, %dma_wait3A_523, %dma_wait3A_529, %dma_wait3A_530] : memref<16x4x2x8192xf32, #tpu.memory_space<vmem_shared>> -> memref<1x1x2x128xf32, #tpu.memory_space<vmem_shared>>
      %dma_wait3A_532 = tpu.memref_squeeze %dma_wait3A_531 : memref<1x1x2x128xf32, #tpu.memory_space<vmem_shared>> -> memref<2x128xf32, #tpu.memory_space<vmem_shared>>
      %dma_wait3A_533 = tpu.memref_slice %arg11[%dma_wait3A_524] : memref<4x!tpu.dma_semaphore, #tpu.memory_space<semaphore_mem>> -> memref<1x!tpu.dma_semaphore, #tpu.memory_space<semaphore_mem>>
      %dma_wait3A_534 = tpu.memref_squeeze %dma_wait3A_533 : memref<1x!tpu.dma_semaphore, #tpu.memory_space<semaphore_mem>> -> memref<!tpu.dma_semaphore, #tpu.memory_space<semaphore_mem>>
      %dma_wait3A_535 = arith.constant 0 : i32
      %dma_wait3A_536 = arith.constant 0 : i32
      %dma_wait3A_537 = tpu.memref_slice %arg5[%arg1, %dma_wait3A_523, %dma_wait3A_535, %dma_wait3A_536] : memref<16x4x2x8192xf32, #tpu.memory_space<vmem_shared>> -> memref<1x1x2x128xf32, #tpu.memory_space<vmem_shared>>
      %dma_wait3A_538 = tpu.memref_squeeze %dma_wait3A_537 : memref<1x1x2x128xf32, #tpu.memory_space<vmem_shared>> -> memref<2x128xf32, #tpu.memory_space<vmem_shared>>
      %dma_wait3A_539 = arith.constant 0 : i32
      %dma_wait3A_540 = arith.constant 0 : i32
      %dma_wait3A_541 = tpu.memref_slice %arg6[%dma_wait3A_522, %dma_wait3A_539, %dma_wait3A_540] : memref<4x2x128xf32, #tpu.memory_space<vmem>> -> memref<1x2x128xf32, #tpu.memory_space<vmem>>
      %dma_wait3A_542 = tpu.memref_squeeze %dma_wait3A_541 : memref<1x2x128xf32, #tpu.memory_space<vmem>> -> memref<2x128xf32, #tpu.memory_space<vmem>>
      tpu.wait_dma2 semaphore(%dma_wait3A_534 : memref<!tpu.dma_semaphore, #tpu.memory_space<semaphore_mem>>) src(%dma_wait3A_542 : memref<2x128xf32, #tpu.memory_space<vmem>>) dst(%dma_wait3A_538 : memref<2x128xf32, #tpu.memory_space<vmem_shared>>)
      %mul3A_543 = arith.constant 2 : i32
      %mul3A_544 = arith.muli %add3A_457, %mul3A_543 : i32
      %add3A_545 = arith.addi %mul3A_2, %mul3A_544 : i32
      %dma_start3A_546 = arith.constant 3 : i32
      %dma_start3A_547 = arith.constant 3 : i32
      %dma_start3A_548 = tpu.memref_slice %arg9[%dma_start3A_547] : memref<4x!tpu.dma_semaphore, #tpu.memory_space<semaphore_mem>> -> memref<1x!tpu.dma_semaphore, #tpu.memory_space<semaphore_mem>>
      %dma_start3A_549 = tpu.memref_squeeze %dma_start3A_548 : memref<1x!tpu.dma_semaphore, #tpu.memory_space<semaphore_mem>> -> memref<!tpu.dma_semaphore, #tpu.memory_space<semaphore_mem>>
      %dma_start3A_550 = arith.constant 0 : i32
      %dma_start3A_551 = tpu.memref_slice %arg4[%add3A_545, %dma_start3A_550] : memref<8192x8192xf32, #tpu.memory_space<hbm>> -> memref<2x8192xf32, #tpu.memory_space<hbm>>
      %dma_start3A_552 = arith.constant 0 : i32
      %dma_start3A_553 = arith.constant 0 : i32
      %dma_start3A_554 = tpu.memref_slice %arg5[%arg1, %dma_start3A_546, %dma_start3A_552, %dma_start3A_553] : memref<16x4x2x8192xf32, #tpu.memory_space<vmem_shared>> -> memref<1x1x2x8192xf32, #tpu.memory_space<vmem_shared>>
      %dma_start3A_555 = tpu.memref_squeeze %dma_start3A_554 : memref<1x1x2x8192xf32, #tpu.memory_space<vmem_shared>> -> memref<2x8192xf32, #tpu.memory_space<vmem_shared>>
      tpu.enqueue_dma source(%dma_start3A_555 : memref<2x8192xf32, #tpu.memory_space<vmem_shared>>) target(%dma_start3A_551 : memref<2x8192xf32, #tpu.memory_space<hbm>>) target_semaphore(%dma_start3A_549 : memref<!tpu.dma_semaphore, #tpu.memory_space<semaphore_mem>>)
      %add3A_556 = arith.constant 2 : i32
      %add3A_557 = arith.addi %add3A_457, %add3A_556 : i32
      %lt3A_558 = arith.constant 128 : i32
      %lt3A_559 = arith.cmpi slt, %add3A_557, %lt3A_558 : i32
      %convert_element_type3A_560 = arith.extui %lt3A_559 : i1 to i32
      %cond3A_561 = arith.constant 0 : i32
      %cond3A_562 = arith.cmpi ne, %convert_element_type3A_560, %cond3A_561 : i32
      scf.if %cond3A_562 {
        %add3A_563 = arith.constant 2 : i32
        %add3A_564 = arith.addi %add3A_457, %add3A_563 : i32
        %ge3A = arith.constant 4 : i32
        %ge3A_565 = arith.cmpi sge, %add3A_564, %ge3A : i32
        %convert_element_type3A_566 = arith.extui %ge3A_565 : i1 to i32
        %cond3A_567 = arith.constant 0 : i32
        %cond3A_568 = arith.cmpi ne, %convert_element_type3A_566, %cond3A_567 : i32
        scf.if %cond3A_568 {
          %dma_wait3A_608 = arith.constant 1 : i32
          %dma_wait3A_609 = arith.constant 1 : i32
          %dma_wait3A_610 = tpu.memref_slice %arg9[%dma_wait3A_609] : memref<4x!tpu.dma_semaphore, #tpu.memory_space<semaphore_mem>> -> memref<1x!tpu.dma_semaphore, #tpu.memory_space<semaphore_mem>>
          %dma_wait3A_611 = tpu.memref_squeeze %dma_wait3A_610 : memref<1x!tpu.dma_semaphore, #tpu.memory_space<semaphore_mem>> -> memref<!tpu.dma_semaphore, #tpu.memory_space<semaphore_mem>>
          %dma_wait3A_612 = arith.constant 0 : i32
          %dma_wait3A_613 = tpu.memref_slice %arg4[%mul3A_2, %dma_wait3A_612] : memref<8192x8192xf32, #tpu.memory_space<hbm>> -> memref<2x8192xf32, #tpu.memory_space<hbm>>
          %dma_wait3A_614 = arith.constant 0 : i32
          %dma_wait3A_615 = arith.constant 0 : i32
          %dma_wait3A_616 = tpu.memref_slice %arg5[%arg1, %dma_wait3A_608, %dma_wait3A_614, %dma_wait3A_615] : memref<16x4x2x8192xf32, #tpu.memory_space<vmem_shared>> -> memref<1x1x2x8192xf32, #tpu.memory_space<vmem_shared>>
          %dma_wait3A_617 = tpu.memref_squeeze %dma_wait3A_616 : memref<1x1x2x8192xf32, #tpu.memory_space<vmem_shared>> -> memref<2x8192xf32, #tpu.memory_space<vmem_shared>>
          tpu.wait_dma2 semaphore(%dma_wait3A_611 : memref<!tpu.dma_semaphore, #tpu.memory_space<semaphore_mem>>) src(%dma_wait3A_617 : memref<2x8192xf32, #tpu.memory_space<vmem_shared>>) dst(%dma_wait3A_613 : memref<2x8192xf32, #tpu.memory_space<hbm>>)
        } else {
        }
        %add3A_569 = arith.constant 2 : i32
        %add3A_570 = arith.addi %add3A_457, %add3A_569 : i32
        %mul3A_571 = arith.constant 2 : i32
        %mul3A_572 = arith.muli %add3A_570, %mul3A_571 : i32
        %add3A_573 = arith.addi %mul3A_2, %mul3A_572 : i32
        %dma_start3A_574 = arith.constant 1 : i32
        %dma_start3A_575 = arith.constant 1 : i32
        %dma_start3A_576 = tpu.memref_slice %arg8[%dma_start3A_575] : memref<4x!tpu.dma_semaphore, #tpu.memory_space<semaphore_mem>> -> memref<1x!tpu.dma_semaphore, #tpu.memory_space<semaphore_mem>>
        %dma_start3A_577 = tpu.memref_squeeze %dma_start3A_576 : memref<1x!tpu.dma_semaphore, #tpu.memory_space<semaphore_mem>> -> memref<!tpu.dma_semaphore, #tpu.memory_space<semaphore_mem>>
        %dma_start3A_578 = arith.constant 0 : i32
        %dma_start3A_579 = arith.constant 0 : i32
        %dma_start3A_580 = tpu.memref_slice %arg5[%arg1, %dma_start3A_574, %dma_start3A_578, %dma_start3A_579] : memref<16x4x2x8192xf32, #tpu.memory_space<vmem_shared>> -> memref<1x1x2x8192xf32, #tpu.memory_space<vmem_shared>>
        %dma_start3A_581 = tpu.memref_squeeze %dma_start3A_580 : memref<1x1x2x8192xf32, #tpu.memory_space<vmem_shared>> -> memref<2x8192xf32, #tpu.memory_space<vmem_shared>>
        %dma_start3A_582 = arith.constant 0 : i32
        %dma_start3A_583 = tpu.memref_slice %arg2[%add3A_573, %dma_start3A_582] : memref<8192x8192xf32, #tpu.memory_space<hbm>> -> memref<2x8192xf32, #tpu.memory_space<hbm>>
        tpu.enqueue_dma source(%dma_start3A_583 : memref<2x8192xf32, #tpu.memory_space<hbm>>) target(%dma_start3A_581 : memref<2x8192xf32, #tpu.memory_space<vmem_shared>>) target_semaphore(%dma_start3A_577 : memref<!tpu.dma_semaphore, #tpu.memory_space<semaphore_mem>>)
        %mul3A_584 = arith.constant 2 : i32
        %mul3A_585 = arith.muli %add3A_570, %mul3A_584 : i32
        %add3A_586 = arith.addi %mul3A_2, %mul3A_585 : i32
        %rem3A_587 = arith.constant 128 : i32
        %rem3A_588 = arith.remsi %add3A_586, %rem3A_587 : i32
        %sub3A_589 = arith.subi %add3A_586, %rem3A_588 : i32
        %multiple_of3A_590 = tpu.assume_multiple %sub3A_589, 128 : i32
        %mul3A_591 = arith.constant 2 : i32
        %mul3A_592 = arith.muli %add3A_570, %mul3A_591 : i32
        %add3A_593 = arith.addi %mul3A_2, %mul3A_592 : i32
        %dma_start3A_594 = arith.constant 1 : i32
        %dma_start3A_595 = arith.constant 1 : i32
        %dma_start3A_596 = arith.constant 0 : i32
        %dma_start3A_597 = arith.constant 0 : i32
        %dma_start3A_598 = tpu.memref_slice %arg6[%dma_start3A_594, %dma_start3A_596, %dma_start3A_597] : memref<4x2x128xf32, #tpu.memory_space<vmem>> -> memref<1x2x128xf32, #tpu.memory_space<vmem>>
        %dma_start3A_599 = tpu.memref_squeeze %dma_start3A_598 : memref<1x2x128xf32, #tpu.memory_space<vmem>> -> memref<2x128xf32, #tpu.memory_space<vmem>>
        %dma_start3A_600 = tpu.memref_slice %arg2[%add3A_593, %multiple_of3A_590] : memref<8192x8192xf32, #tpu.memory_space<hbm>> -> memref<2x128xf32, #tpu.memory_space<hbm>>
        %dma_start3A_601 = tpu.memref_slice %arg10[%dma_start3A_595] : memref<4x!tpu.dma_semaphore, #tpu.memory_space<semaphore_mem>> -> memref<1x!tpu.dma_semaphore, #tpu.memory_space<semaphore_mem>>
        %dma_start3A_602 = tpu.memref_squeeze %dma_start3A_601 : memref<1x!tpu.dma_semaphore, #tpu.memory_space<semaphore_mem>> -> memref<!tpu.dma_semaphore, #tpu.memory_space<semaphore_mem>>
        %dma_start3A_603 = arith.constant 0 : i32
        %dma_start3A_604 = arith.constant 0 : i32
        %dma_start3A_605 = tpu.memref_slice %arg6[%dma_start3A_594, %dma_start3A_603, %dma_start3A_604] : memref<4x2x128xf32, #tpu.memory_space<vmem>> -> memref<1x2x128xf32, #tpu.memory_space<vmem>>
        %dma_start3A_606 = tpu.memref_squeeze %dma_start3A_605 : memref<1x2x128xf32, #tpu.memory_space<vmem>> -> memref<2x128xf32, #tpu.memory_space<vmem>>
        %dma_start3A_607 = tpu.memref_slice %arg2[%add3A_593, %multiple_of3A_590] : memref<8192x8192xf32, #tpu.memory_space<hbm>> -> memref<2x128xf32, #tpu.memory_space<hbm>>
        tpu.enqueue_dma source(%dma_start3A_607 : memref<2x128xf32, #tpu.memory_space<hbm>>) target(%dma_start3A_606 : memref<2x128xf32, #tpu.memory_space<vmem>>) target_semaphore(%dma_start3A_602 : memref<!tpu.dma_semaphore, #tpu.memory_space<semaphore_mem>>)
      } else {
      }
    }
    %scan3A_89 = arith.constant 32 : i32
    %dma_wait3A_90 = arith.constant 0 : i32
    %dma_wait3A_91 = arith.constant 0 : i32
    %dma_wait3A_92 = tpu.memref_slice %arg9[%dma_wait3A_91] : memref<4x!tpu.dma_semaphore, #tpu.memory_space<semaphore_mem>> -> memref<1x!tpu.dma_semaphore, #tpu.memory_space<semaphore_mem>>
    %dma_wait3A_93 = tpu.memref_squeeze %dma_wait3A_92 : memref<1x!tpu.dma_semaphore, #tpu.memory_space<semaphore_mem>> -> memref<!tpu.dma_semaphore, #tpu.memory_space<semaphore_mem>>
    %dma_wait3A_94 = arith.constant 0 : i32
    %dma_wait3A_95 = tpu.memref_slice %arg4[%mul3A_2, %dma_wait3A_94] : memref<8192x8192xf32, #tpu.memory_space<hbm>> -> memref<2x8192xf32, #tpu.memory_space<hbm>>
    %dma_wait3A_96 = arith.constant 0 : i32
    %dma_wait3A_97 = arith.constant 0 : i32
    %dma_wait3A_98 = tpu.memref_slice %arg5[%arg1, %dma_wait3A_90, %dma_wait3A_96, %dma_wait3A_97] : memref<16x4x2x8192xf32, #tpu.memory_space<vmem_shared>> -> memref<1x1x2x8192xf32, #tpu.memory_space<vmem_shared>>
    %dma_wait3A_99 = tpu.memref_squeeze %dma_wait3A_98 : memref<1x1x2x8192xf32, #tpu.memory_space<vmem_shared>> -> memref<2x8192xf32, #tpu.memory_space<vmem_shared>>
    tpu.wait_dma2 semaphore(%dma_wait3A_93 : memref<!tpu.dma_semaphore, #tpu.memory_space<semaphore_mem>>) src(%dma_wait3A_99 : memref<2x8192xf32, #tpu.memory_space<vmem_shared>>) dst(%dma_wait3A_95 : memref<2x8192xf32, #tpu.memory_space<hbm>>)
    %dma_wait3A_100 = arith.constant 1 : i32
    %dma_wait3A_101 = arith.constant 1 : i32
    %dma_wait3A_102 = tpu.memref_slice %arg9[%dma_wait3A_101] : memref<4x!tpu.dma_semaphore, #tpu.memory_space<semaphore_mem>> -> memref<1x!tpu.dma_semaphore, #tpu.memory_space<semaphore_mem>>
    %dma_wait3A_103 = tpu.memref_squeeze %dma_wait3A_102 : memref<1x!tpu.dma_semaphore, #tpu.memory_space<semaphore_mem>> -> memref<!tpu.dma_semaphore, #tpu.memory_space<semaphore_mem>>
    %dma_wait3A_104 = arith.constant 0 : i32
    %dma_wait3A_105 = tpu.memref_slice %arg4[%mul3A_2, %dma_wait3A_104] : memref<8192x8192xf32, #tpu.memory_space<hbm>> -> memref<2x8192xf32, #tpu.memory_space<hbm>>
    %dma_wait3A_106 = arith.constant 0 : i32
    %dma_wait3A_107 = arith.constant 0 : i32
    %dma_wait3A_108 = tpu.memref_slice %arg5[%arg1, %dma_wait3A_100, %dma_wait3A_106, %dma_wait3A_107] : memref<16x4x2x8192xf32, #tpu.memory_space<vmem_shared>> -> memref<1x1x2x8192xf32, #tpu.memory_space<vmem_shared>>
    %dma_wait3A_109 = tpu.memref_squeeze %dma_wait3A_108 : memref<1x1x2x8192xf32, #tpu.memory_space<vmem_shared>> -> memref<2x8192xf32, #tpu.memory_space<vmem_shared>>
    tpu.wait_dma2 semaphore(%dma_wait3A_103 : memref<!tpu.dma_semaphore, #tpu.memory_space<semaphore_mem>>) src(%dma_wait3A_109 : memref<2x8192xf32, #tpu.memory_space<vmem_shared>>) dst(%dma_wait3A_105 : memref<2x8192xf32, #tpu.memory_space<hbm>>)
    %dma_wait3A_110 = arith.constant 2 : i32
    %dma_wait3A_111 = arith.constant 2 : i32
    %dma_wait3A_112 = tpu.memref_slice %arg9[%dma_wait3A_111] : memref<4x!tpu.dma_semaphore, #tpu.memory_space<semaphore_mem>> -> memref<1x!tpu.dma_semaphore, #tpu.memory_space<semaphore_mem>>
    %dma_wait3A_113 = tpu.memref_squeeze %dma_wait3A_112 : memref<1x!tpu.dma_semaphore, #tpu.memory_space<semaphore_mem>> -> memref<!tpu.dma_semaphore, #tpu.memory_space<semaphore_mem>>
    %dma_wait3A_114 = arith.constant 0 : i32
    %dma_wait3A_115 = tpu.memref_slice %arg4[%mul3A_2, %dma_wait3A_114] : memref<8192x8192xf32, #tpu.memory_space<hbm>> -> memref<2x8192xf32, #tpu.memory_space<hbm>>
    %dma_wait3A_116 = arith.constant 0 : i32
    %dma_wait3A_117 = arith.constant 0 : i32
    %dma_wait3A_118 = tpu.memref_slice %arg5[%arg1, %dma_wait3A_110, %dma_wait3A_116, %dma_wait3A_117] : memref<16x4x2x8192xf32, #tpu.memory_space<vmem_shared>> -> memref<1x1x2x8192xf32, #tpu.memory_space<vmem_shared>>
    %dma_wait3A_119 = tpu.memref_squeeze %dma_wait3A_118 : memref<1x1x2x8192xf32, #tpu.memory_space<vmem_shared>> -> memref<2x8192xf32, #tpu.memory_space<vmem_shared>>
    tpu.wait_dma2 semaphore(%dma_wait3A_113 : memref<!tpu.dma_semaphore, #tpu.memory_space<semaphore_mem>>) src(%dma_wait3A_119 : memref<2x8192xf32, #tpu.memory_space<vmem_shared>>) dst(%dma_wait3A_115 : memref<2x8192xf32, #tpu.memory_space<hbm>>)
    %dma_wait3A_120 = arith.constant 3 : i32
    %dma_wait3A_121 = arith.constant 3 : i32
    %dma_wait3A_122 = tpu.memref_slice %arg9[%dma_wait3A_121] : memref<4x!tpu.dma_semaphore, #tpu.memory_space<semaphore_mem>> -> memref<1x!tpu.dma_semaphore, #tpu.memory_space<semaphore_mem>>
    %dma_wait3A_123 = tpu.memref_squeeze %dma_wait3A_122 : memref<1x!tpu.dma_semaphore, #tpu.memory_space<semaphore_mem>> -> memref<!tpu.dma_semaphore, #tpu.memory_space<semaphore_mem>>
    %dma_wait3A_124 = arith.constant 0 : i32
    %dma_wait3A_125 = tpu.memref_slice %arg4[%mul3A_2, %dma_wait3A_124] : memref<8192x8192xf32, #tpu.memory_space<hbm>> -> memref<2x8192xf32, #tpu.memory_space<hbm>>
    %dma_wait3A_126 = arith.constant 0 : i32
    %dma_wait3A_127 = arith.constant 0 : i32
    %dma_wait3A_128 = tpu.memref_slice %arg5[%arg1, %dma_wait3A_120, %dma_wait3A_126, %dma_wait3A_127] : memref<16x4x2x8192xf32, #tpu.memory_space<vmem_shared>> -> memref<1x1x2x8192xf32, #tpu.memory_space<vmem_shared>>
    %dma_wait3A_129 = tpu.memref_squeeze %dma_wait3A_128 : memref<1x1x2x8192xf32, #tpu.memory_space<vmem_shared>> -> memref<2x8192xf32, #tpu.memory_space<vmem_shared>>
    tpu.wait_dma2 semaphore(%dma_wait3A_123 : memref<!tpu.dma_semaphore, #tpu.memory_space<semaphore_mem>>) src(%dma_wait3A_129 : memref<2x8192xf32, #tpu.memory_space<vmem_shared>>) dst(%dma_wait3A_125 : memref<2x8192xf32, #tpu.memory_space<hbm>>)
    return
  }
}

</mosaic_0001>

<sc_bundles>
// kernel: kernel.3.cloned.1.call-start
scs
__scs_entry_jumppad:
0x0: {  	(pc) =	sbr.rel $0x88, $3  }
0x1: {  	(tag) =	ssettag $0x0;
	lr =	simm.s32 $0x1  }
0x2: {  	[smem:$0x3F9F] =	sst lr;
	_ =	strace $0xD0000000  }
0x3: {  	_ = 	snop  }
0x4: {  	_ = 	snop  }
0x5: {  	_ = 	snop  }
0x6: {  	_ = 	snop  }
0x7: {  	_ = 	snop  }
__scs_overlays_trampoline_lowered:
0x8: {  	[smem:$0x3FAE] =	sst s0  }
0x9: {  	[smem:$0x3FAF] =	sst s1  }
0xa: {  	[smem:$0x3FB0] =	sst s2  }
0xb: {  	[smem:$0x3FB1] =	sst s3  }
0xc: {  	[smem:$0x3FB2] =	sst s4  }
0xd: {  	[smem:$0x3FB3] =	sst s5  }
0xe: {  	[smem:$0x3FB4] =	sst s6  }
0xf: {  	[smem:$0x3FB5] =	sst s7  }
0x10: {  	[smem:$0x3FB6] =	sst s8  }
0x11: {  	[smem:$0x3FB7] =	sst s9;
	s0 =	simm.s32 @!p0 $0x0  }
0x12: {  	s1 =	sld [smem:$0x3F9D];
	s0 =	simm.s32 @p0 $0x1  }
0x13: {  	[smem:$0x3FB8] =	sst s0;
	s0 =	simm.s32 @!p1 $0x0  }
0x14: {  	s2 =	sld [smem:$0x3F9C];
	s0 =	simm.s32 @p1 $0x1  }
0x15: {  	[smem:$0x3FB9] =	sst s0;
	s0 =	simm.s32 @!p2 $0x0  }
0x16: {  	s3 =	sld [smem:$0x3FDB];
	s0 =	simm.s32 @p2 $0x1  }
0x17: {  	s4 =	simm.s32 $0x1BF5;
	[smem:$0x3FBB] =	sst s0  }
0x18: {  	s0 =	sld [smem:$0x3F9E];
	_ =	swait.ge [sflag:s4], $0x0  }
0x19: {  	s7 =	sld [smem:$0x3F9F]  }
0x1a: {  	s8 =	sadd.s32 $0xFFFFE003, lr  }
0x1b: {  	s9 =	sadd.s32 $0xFFFFFEF7, lr;
	s5 =	simm.s32 $0xFFFFFFFF;
	p2 =	slt.u32 s8, $0xFFFFF086  }
0x1c: {  	p1 =	slt.u32 s9, $0xF7A;
	s5 =	simm.s32 @!p2 $0x0  }
0x1d: {  	s5 =	simm.s32 @p1 $0x1;
	p0 =	seq.s32 s7, s2  }
0x1e: {  	s7 =	smul.u32 @!p0 $0xF7A, s2;
	p2 =	seq.s32 @!p0 s5, $0x0  }
0x1f: {  	s9 =	smul.u32 $0xF7A, s1;
	s8 =	simm.s32 @!p0 $0x1BF5;
	p2 =	por !p2, p0  }
0x20: {  	[sflag:s8] =	ssyncset.s32 @!p0 $0xFFFFF086;
	s6 =	sadd.s32 @!p0 s3, s7;
	s7 =	simm.s32 @!p0 $0x108  }
0x21: {  	s3 =	sadd.s32 s3, s9;
	s6 =	sadd.s32 @!p0 $0x88, s6;
	s7 =	simm.s32 @p2 $0x1082  }
0x22: {  	[simem:s7], [sflag:s8] =	dma.local @!p0 [hbm:s6], $0xF7A  }
0x23: {  	s9 =	sor.u32 $0xD0000000, s2;
	s6 =	simm.s32 $0x108;
	_ =	swait.ge @!p0 [sflag:s8], $0x0  }
0x24: {  	s3 =	sadd.s32 $0x88, s3;
	s6 =	simm.s32 @!p1 $0x1082;
	[sflag:s4] =	ssyncset.s32 $0xFFFFF086  }
0x25: {  	[simem:s6], [sflag:s4] =	dma.local [hbm:s3], $0xF7A  }
0x26: {  	[smem:$0x3F9F] =	sst s1;
	(tag) =	ssettag s2;
	_ =	strace s9  }
0x27: {  	s1 =	sld [smem:$0x3FAF]  }
0x28: {  	s2 =	sld [smem:$0x3FB0]  }
0x29: {  	s4 =	sld [smem:$0x3FB2]  }
0x2a: {  	p0 =	seq.s32 s5, $0x0;
	s5 =	sld [smem:$0x3FB3]  }
0x2b: {  	s6 =	sld [smem:$0x3FB4]  }
0x2c: {  	s7 =	sld [smem:$0x3FB5]  }
0x2d: {  	s3 =	simm.s32 $0x108;
	s8 =	sld [smem:$0x3FB6]  }
0x2e: {  	s3 =	simm.s32 @!p0 $0x1082;
	s9 =	sld [smem:$0x3FB7]  }
0x2f: {  	lr =	sadd.s32 s0, s3;
	s0 =	sld [smem:$0x3FAE]  }
0x30: {  	s3 =	sld [smem:$0x3FB1]  }
0x31: {  	[smem:$0x3FBA] =	sst s10  }
0x32: {  	s10 =	sld [smem:$0x3FB8];
	_ =	sdelay $0x3  }
0x33: {  	p0 =	seq.s32 s10, $0x1;
	s10 =	sld [smem:$0x3FBA];
	_ =	sdelay $0x3  }
0x34: {  	[smem:$0x3FBA] =	sst s10  }
0x35: {  	s10 =	sld [smem:$0x3FB9];
	_ =	sdelay $0x3  }
0x36: {  	p1 =	seq.s32 s10, $0x1;
	s10 =	sld [smem:$0x3FBA];
	_ =	sdelay $0x3  }
0x37: {  	[smem:$0x3FBA] =	sst s10  }
0x38: {  	s10 =	sld [smem:$0x3FBB]  }
0x39: {  	_ = 	snop;
	(pc) =	sbr.ind lr, $3  }
0x3a: {  	_ = 	snop  }
0x3b: {  	_ = 	snop  }
0x3c: {  	p2 =	seq.s32 s10, $0x1;
	s10 =	sld [smem:$0x3FBA]  }
0x3d: {  	_ =	shalt  }
0x3e: {  	_ =	shalt  }
0x3f: {  	_ =	shalt  }
0x40: {  	_ =	shalt  }
0x41: {  	_ =	shalt  }
0x42: {  	_ =	shalt  }
0x43: {  	_ =	shalt  }
0x44: {  	_ =	shalt  }
0x45: {  	_ =	shalt  }
0x46: {  	_ =	shalt  }
0x47: {  	_ =	shalt  }
0x48: {  	_ =	shalt  }
0x49: {  	_ =	shalt  }
0x4a: {  	_ =	shalt  }
0x4b: {  	_ =	shalt  }
0x4c: {  	_ =	shalt  }
0x4d: {  	_ =	shalt  }
0x4e: {  	_ =	shalt  }
0x4f: {  	_ =	shalt  }
0x50: {  	_ =	shalt  }
0x51: {  	_ =	shalt  }
0x52: {  	_ =	shalt  }
0x53: {  	_ =	shalt  }
0x54: {  	_ =	shalt  }
0x55: {  	_ =	shalt  }
0x56: {  	_ =	shalt  }
0x57: {  	_ =	shalt  }
0x58: {  	_ =	shalt  }
0x59: {  	_ =	shalt  }
0x5a: {  	_ =	shalt  }
0x5b: {  	_ =	shalt  }
0x5c: {  	_ =	shalt  }
0x5d: {  	_ =	shalt  }
0x5e: {  	_ =	shalt  }
0x5f: {  	_ =	shalt  }
0x60: {  	_ =	shalt  }
0x61: {  	_ =	shalt  }
0x62: {  	_ =	shalt  }
0x63: {  	_ =	shalt  }
0x64: {  	_ =	shalt  }
0x65: {  	_ =	shalt  }
0x66: {  	_ =	shalt  }
0x67: {  	_ =	shalt  }
0x68: {  	_ =	shalt  }
0x69: {  	_ =	shalt  }
0x6a: {  	_ =	shalt  }
0x6b: {  	_ =	shalt  }
0x6c: {  	_ =	shalt  }
0x6d: {  	_ =	shalt  }
0x6e: {  	_ =	shalt  }
0x6f: {  	_ =	shalt  }
0x70: {  	_ =	shalt  }
0x71: {  	_ =	shalt  }
0x72: {  	_ =	shalt  }
0x73: {  	_ =	shalt  }
0x74: {  	_ =	shalt  }
0x75: {  	_ =	shalt  }
0x76: {  	_ =	shalt  }
0x77: {  	_ =	shalt  }
0x78: {  	_ =	shalt  }
0x79: {  	_ =	shalt  }
0x7a: {  	_ =	shalt  }
0x7b: {  	_ =	shalt  }
0x7c: {  	_ =	shalt  }
0x7d: {  	_ =	shalt  }
0x7e: {  	_ =	shalt  }
0x7f: {  	_ =	shalt  }
0x80: {  	_ =	shalt  }
0x81: {  	_ =	shalt  }
0x82: {  	_ =	shalt  }
0x83: {  	_ =	shalt  }
0x84: {  	_ =	shalt  }
0x85: {  	_ =	shalt  }
0x86: {  	_ =	shalt  }
0x87: {  	_ =	shalt  }
.Lfunc_end0:
.L_simem_size_0:
called_computation_lowered:
.L_overlay_start_0:
0x88: {  	s2 =	sld [smem:$0x3FD9]  }
0x89: {  	s3 =	sld [smem:$0x3FFE];
	_ =	sdelay $0x1  }
0x8a: {  	s1 =	srdreg.scid  }
0x8b: {  	s0 =	sand.u32 $0x1, s1  }
0x8c: {  	s18 =	sshll.u32 s0, $0xA;
	s2 =	sadd.s32 s3, s2  }
0x8d: {  	s2 =	sadd.s32 s2, s18  }
0x8e: {  	[smem:$0x3FC6] =	sst s2  }
0x8f: {  	_ = 	snop  }
0x90: {  	s2 =	sld [smem:$0x3FC9]  }
0x91: {  	s19 =	sld [smem:$0x3FC8]  }
0x92: {  	s4 =	sld [smem:$0x3FD0];
	(tm) =	ssettm $0x1  }
0x93: {  	s5 =	sld [smem:$0x3FFB];
	_ =	sdelay $0x3  }
0x94: {  	_ =	strace s5  }
0x95: {  	s5 =	sld [smem:$0x3FFC];
	_ =	sdelay $0x3  }
0x96: {  	_ =	strace s5  }
0x97: {  	s5 =	sld [smem:$0x3FFD];
	_ =	sdelay $0x3  }
0x98: {  	_ =	strace s5  }
0x99: {  	_ =	strace $0x8FFFFFFF  }
0x9a: {  	s20 =	sld [smem:$0x3FDB];
	_ =	sdelay $0x1  }
0x9b: {  	s6 =	simm.s32 $_scs_section_size  }
0x9c: {  	s7 =	simm.s32 $_size__tile_overlayer_lowered;
	s8 =	simm.s32 $_tile_overlayer_lowered  }
0x9d: {  	s23 =	simm.s32 $0x1BFF;
	s22 =	sshll.u32 s8, $0x1;
	s5 =	sadd.s32 s6, s20  }
0x9e: {  	s9 =	simm.s32 $0x0;
	s21 =	sshll.u32 s7, $0x1;
	s7 =	sadd.s32 s22, s5  }
0x9f: {  	[timem:s9], [sflag:s23] =	dma.local [hbm:s7], s21  }
0xa0: {  	_ =	swait.ge [sflag:s23], s21  }
0xa1: {  	s6 =	ssub.s32 $0x0, s21;
	[sflag:s23] =	ssyncset.done $0x0  }
0xa2: {  	[sflag:s23] =	ssyncadd.s32 s6;
	_ =	sdelay $0x1  }
0xa3: {  	s24 =	simm.s32 $0x1B8B  }
0xa4: {  	_ =	swait.ge [sflag:s24], $0x1  }
0xa5: {  	[sflag:s24] =	ssyncset.done $0x0  }
0xa6: {  	s25 =	simm.s32 $0x1B8E;
	[sflag:s24] =	ssyncadd.s32 $0xFFFFFFFF  }
0xa7: {  	s26 =	simm.s32 $execute0_lowered;
	[smem:$0x3FD2] =	sst s25  }
0xa8: {  	s6 =	sshll.u32 s26, $0x1;
	_ =	strace $0x80000046;
	[dreg:$0x1] =	wrdreg $0xFFFFFFFF  }
0xa9: {  	s28 =	simm.s32 $_size_execute0_lowered;
	s5 =	sadd.s32 s5, s6;
	[dreg:$0x0] =	wrdreg $0x0  }
0xaa: {  	s6 =	sshll.u32 s28, $0x1;
	[dreg:$0x2] =	wrdreg s5  }
0xab: {  	[dreg:$0x3] =	wrdreg s6  }
0xac: {  	[dreg:$0x4] =	wrdreg $0xC0  }
0xad: {  	_ =	task [dreg:s9], $0x5FFFF  }
0xae: {  	[dreg:$0x1] =	wrdreg $0xFFFFFFFF  }
0xaf: {  	[dreg:$0x0] =	wrdreg $0x60  }
0xb0: {  	[dreg:$0x2] =	wrdreg s2  }
0xb1: {  	[dreg:$0x3] =	wrdreg s19  }
0xb2: {  	[dreg:$0x4] =	wrdreg s4  }
0xb3: {  	[dreg:$0x5] =	wrdreg $0x0  }
0xb4: {  	[dreg:$0x6] =	wrdreg $0x9  }
0xb5: {  	_ =	task.clear_ibuf [dreg:s9], $0x7FFFF;
	_ =	strace $0x90000046  }
0xb6: {  	s29 =	simm.s32 $0x9;
	_ =	strace $0x80000048  }
0xb7: {  	_ =	swait.ge [sflag:s29], $0x1  }
0xb8: {  	[sflag:s29] =	ssyncadd.s32 $0xFFFFFFFF  }
0xb9: {  	_ =	strace $0x90000048  }
0xba: {  	_ =	sfence  }
0xbb: {  	s30 =	sld [smem:$0x0];
	_ =	sdelay $0x2  }
0xbc: {  	s31 =	sshll.u32 s1, $0xD;
	s1 =	sshrl.u32 s1, $0x2  }
0xbd: {  	s3 =	sand.u32 $0x4000, s31;
	s1 =	sadd.s32 s1, s30  }
0xbe: {  	s0 =	sor.u32 s3, s0;
	s1 =	sshll.u32 s1, $0x11  }
0xbf: {  	s0 =	sor.u32 s1, s0  }
0xc0: {  	s0 =	sadd.s32 $0x8F2B, s0  }
0xc1: {  	[sflag:s0] =	ssyncadd.remote.s32 $0x1  }
0xc2: {  	_ =	sfence.sel $0xFFFF  }
0xc3: {  	[dreg:$0x0] =	wrdreg $0xFFFFFFFF;
	(pc) =	sbr.abs _section_cstart, $3  }
0xc4: {  	[dreg:$0x1] =	wrdreg $0xFFFFFFFF  }
0xc5: {  	_ =	task.clear_ibuf [dreg:s9], $0x2FFFF;
	_ =	strace $0x9FFFFFFF  }
0xc6: {  	(tm) =	ssettm $0x7FFFFFFF  }
0xc7: {  	_ =	shalt  }
tec
execute0_lowered:
.L_overlay_start_1:
0x0: {  	(tag) =	ssettag $0x1  }
0x1: {  	s12 =	rddreg [dreg:$0x0]  }
0x2: {  	s0 =	rddreg [dreg:$0x1]  }
0x3: {  	s1 =	rddreg [dreg:$0x2]  }
0x4: {  	s2 =	rddreg [dreg:$0x3];
	s4 =	simm.s32 $0x0;
	s3 =	srdreg.scid  }
0x5: {  	s13 =	stileid.u32;
	[smem:$0x7FF] =	sst s4;
	s3 =	sand.u32 $0x1, s3  }
0x6: {  	s6 =	sshll.u32 s13, $0x8;
	s8 =	sshll.u32 s13, $0x12;
	s14 =	sadd.s32 $0x20, s12  }
0x7: {  	s15 =	sadd.s32 $0x40, s12;
	s17 =	sadd.s32 $0x60, s12;
	s10 =	sshll.u32 s13, $0x9  }
0x8: {  	s30 =	sshll.u32 s13, $0xB;
	s18 =	ssub.s32 $0x2, s3;
	s5 =	sshll.u32 s3, $0xC  }
0x9: {  	_ =	strace $0x80000047;
	s20 =	sshrl.u32 s8, $0x2;
	[dreg:$0x6] =	wrdreg s14  }
0xa: {  	s26 =	sshll.u32 s3, $0xD;
	s29 =	sshll.u32 s3, $0xF;
	[dreg:$0xb] =	wrdreg s15  }
0xb: {  	s11 =	sshll.u32 s3, $0x16;
	s3 =	sshll.u32 s3, $0x19;
	[dreg:$0xc] =	wrdreg s17  }
0xc: {  	s7 =	sshrl.u32 s18, $0x1;
	s6 =	sor.u32 s6, s5;
	s31 =	sadd.s32 s11, s1  }
0xd: {  	s5 =	sadd.s32 s20, s2;
	s4 =	ssub.s32 s18, s7;
	s7 =	sadd.s32 s8, s31  }
0xe: {  	s19 =	sshrl.u32 s6, $0x3;
	s31 =	sadd.s32 $0xC000, s5;
	[dreg:$0x10] =	wrdreg s7  }
0xf: {  	s21 =	sshll.u32 s6, $0xA;
	s0 =	sadd.s32 s0, s19;
	[dreg:$0x1d] =	wrdreg s31  }
0x10: {  	s9 =	smul.u32 $0x401, s6;
	s22 =	sadd.s32 s12, s21;
	[dreg:$0x5] =	wrdreg s0  }
0x11: {  	s24 =	sadd.s32 s21, s14;
	s2 =	sshll.u32 s19, $0xD;
	[dreg:$0x7] =	wrdreg s22  }
0x12: {  	s4 =	smax.u32 s4, $0x1;
	s16 =	sshll.u32 s19, $0x10;
	[dreg:$0x9] =	wrdreg s24  }
0x13: {  	s19 =	sadd.s32 s11, s12;
	s23 =	sadd.s32 s12, s9;
	[dreg:$0xd] =	wrdreg s4  }
0x14: {  	s25 =	sadd.s32 s9, s14;
	s28 =	sadd.s32 s2, s1;
	[dreg:$0x8] =	wrdreg s23  }
0x15: {  	s9 =	sor.u32 s10, s26;
	s10 =	simm.s32 $0x0;
	[dreg:$0xa] =	wrdreg s25  }
0x16: {  	s0 =	sadd.s32 s21, s1;
	s26 =	sadd.s32 s2, s15;
	[dreg:$0xe] =	wrdreg s9  }
0x17: {  	s4 =	simm.s32 $0x20;
	s9 =	sor.u32 s30, s29;
	[dreg:$0x19] =	wrdreg s26  }
0x18: {  	s12 =	simm.s32 $0x10100;
	s0 =	sadd.s32 $0x20, s0;
	[dreg:$0xf] =	wrdreg s9  }
0x19: {  	s24 =	sadd.s32 $0x40, s28;
	s25 =	sadd.s32 $0x60, s28;
	[dreg:$0x11] =	wrdreg s0  }
0x1a: {  	s28 =	sadd.s32 s2, s17;
	s29 =	sadd.s32 $0x4000, s5;
	[dreg:$0x17] =	wrdreg s24  }
0x1b: {  	s30 =	sadd.s32 $0x8000, s5;
	s2 =	simm.s32 $0x2;
	[dreg:$0x18] =	wrdreg s25  }
0x1c: {  	s17 =	simm.s32 $0x10100;
	s9 =	sshll.u32 s13, $0x15;
	[dreg:$0x1a] =	wrdreg s28  }
0x1d: {  	s13 =	sor.u32 $0x8, s6;
	s6 =	sshll.u32 s6, $0x3;
	[dreg:$0x1b] =	wrdreg s29  }
0x1e: {  	[dreg:$0x1c] =	wrdreg s30;
	s1 =	sor.u32 s9, s3;
	s18 =	sshrl.u32 s13, $0x3  }
0x1f: {  	s3 =	sadd.s32 s8, s19;
	s21 =	sor.u32 $0x40, s6;
	s19 =	simm.s32 $0x10000  }
.Ltmp0:
0x20: {  	s0 =	sshll.u32 s18, $0x10;
	[dreg:$0x14] =	wrdreg s21;
	(pc) =	sbr.rel .LBB2_1-.Ltmp0, $4  }
0x21: {  	s6 =	simm.s32 $0x0;
	s22 =	sor.u32 $0x10000, s1;
	[dreg:$0x13] =	wrdreg s0  }
0x22: {  	s20 =	sshll.u32 s18, $0xD;
	s23 =	sadd.s32 $0x2000, s3;
	[dreg:$0x15] =	wrdreg s22  }
0x23: {  	v0 =	vlaneseq.u32;
	s18 =	simm.s32 $0x10300;
	s7 =	sadd.s32 s20, s14;
	[dreg:$0x16] =	wrdreg s23  }
0x24: {  	v1 =	vmul.u32 $0x81, v0;
	s0 =	simm.s32 $0x10400;
	[dreg:$0x12] =	wrdreg s7;
	s7 =	simm.s32 $0x80  }
.LBB2_4:
0x25: {  	s1 =	simm.s32 $0x5  }
0x26: {  	_ =	swait.ge [sflag:s1], $0x800  }
0x27: {  	[sflag:s1] =	ssyncset.done $0x0  }
0x28: {  	s29 =	simm.s32 $0x6;
	[sflag:s1] =	ssyncadd.s32 $0xFFFFF800  }
0x29: {  	_ =	swait.ge [sflag:s29], $0x800  }
0x2a: {  	[sflag:s29] =	ssyncset.done $0x0  }
0x2b: {  	s30 =	simm.s32 $0x7;
	[sflag:s29] =	ssyncadd.s32 $0xFFFFF800  }
0x2c: {  	_ =	swait.ge [sflag:s30], $0x800  }
0x2d: {  	[sflag:s30] =	ssyncset.done $0x0  }
0x2e: {  	s3 =	simm.s32 $0x8;
	[sflag:s30] =	ssyncadd.s32 $0xFFFFF800  }
0x2f: {  	_ =	swait.ge [sflag:s3], $0x800  }
0x30: {  	s6 =	rddreg [dreg:$0x1e]  }
0x31: {  	s31 =	rddreg [dreg:$0xd];
	s6 =	sadd.s32 $0x1, s6  }
0x32: {  	p0 =	sne.s32 s6, s31  }
.Ltmp1:
0x33: {  	_ = 	snop;
	(pc) =	sbr.rel @!p0 .LBB2_5-.Ltmp1, $3  }
0x34: {  	_ =	sdelay $0x1  }
0x35: {  	[sflag:s3] =	ssyncset.done $0x0  }
0x36: {  	s10 =	simm.s32 $0x0;
	s12 =	simm.s32 $0x10100;
	[sflag:s3] =	ssyncadd.s32 $0xFFFFF800  }
.LBB2_1:
0x37: {  	[dreg:$0x1e] =	wrdreg s6  }
0x38: {  	s1 =	rddreg [dreg:$0x5];
	s3 =	simm.s32 $0x1;
	s20 =	stileid.u32  }
0x39: {  	[tilespmem:s0], [sflag:$0x1] =	stream.linear.gather [hbm4b:s1+s10], $0x100, $0x38;
	[tilespmem:$0x10580] =	vst v63  }
0x3a: {  	s22 =	sshll.u32 s20, $0x6;
	_ =	swait.ge [sflag:s3], $0x100  }
0x3b: {  	s21 =	sor.u32 $0x1C01, s22;
	s24 =	rddreg [dreg:$0x7]  }
0x3c: {  	s23 =	sshrl.u32 s5, $0x3;
	[sflag:s3] =	ssyncset.done $0x0;
	[dreg:$0x1f] =	wrdreg s21  }
0x3d: {  	s25 =	sor.u32 $0x1C02, s22;
	[smem:$0x7FC] =	sst s23;
	[sflag:s3] =	ssyncadd.s32 $0xFFFFFF00  }
0x3e: {  	[spmem:s23@s4], [sflag:s21] =	dma.strided [hbm:s24@s7], $0x800, s2, $0x10   }
0x3f: {  	[smem:$0x7FD] =	sst s25  }
0x40: {  	s1 =	rddreg [dreg:$0x8]  }
0x41: {  	s26 =	rddreg [dreg:$0x1b]  }
0x42: {  	[tilespmem:s19], [sflag:$0x9] =	stream.linear.gather [hbm4b:s1+s10], $0x100, $0x38;
	[tilespmem:$0x10580] =	vst v63  }
0x43: {  	s29 =	rddreg [dreg:$0x9];
	s26 =	sshrl.u32 s26, $0x3  }
0x44: {  	[spmem:s26@s4], [sflag:s25] =	dma.strided [hbm:s29@s7], $0x800, s2, $0x10   }
0x45: {  	s28 =	simm.s32 $0x1;
	s30 =	simm.s32 $0x4;
	s1 =	rddreg [dreg:$0xa]  }
0x46: {  	s31 =	simm.s32 $0x0;
	s8 =	simm.s32 $0x0;
	s25 =	rddreg [dreg:$0x14]  }
0x47: {  	s9 =	simm.s32 $0x0;
	s14 =	simm.s32 $0x0;
	s24 =	rddreg [dreg:$0xf]  }
0x48: {  	s3 =	simm.s32 $0x0;
	s23 =	simm.s32 $0x0;
	s13 =	rddreg [dreg:$0xe]  }
0x49: {  	[tilespmem:s12], [sflag:$0xA] =	stream.linear.gather [hbm4b:s1+s10], $0x100, $0x38;
	[tilespmem:$0x10580] =	vst v63  }
.LBB2_2:
0x4a: {  	s1 =	simm.s32 $0x1  }
0x4b: {  	_ =	swait.ge [sflag:s1], $0x800  }
0x4c: {  	v2 =	vadd.s32 s3, v0;
	[sflag:s1] =	ssyncset.done $0x0  }
0x4d: {  	s11 =	simm.s32 $0x9;
	[sflag:s1] =	ssyncadd.s32 $0xFFFFF800  }
0x4e: {  	_ =	swait.ge [sflag:s11], $0x100  }
0x4f: {  	[sflag:s11] =	ssyncset.done $0x0  }
0x50: {  	s15 =	sand.u32 $0x78, s3;
	[sflag:s11] =	ssyncadd.s32 $0xFFFFFF00  }
0x51: {  	v3 =	vadd.s32 s15, v1;
	v2 =	vld.idx.msk [tilespmem:v2+s0+$0x0], $0xffff  }
0x52: {  	s19 =	sand.u32 $0xF, s8  }
0x53: {  	s1 =	sshll.u32 s19, $0x4  }
0x54: {  	s1 =	ssub.s32 s13, s1  }
0x55: {  	s6 =	simm.s32 $0x10000;
	s1 =	sand.u32 $0x7FFFFF00, s1  }
0x56: {  	s20 =	simm.s32 $0xD;
	s1 =	sadd.s32 s1, s5;
	[tilespmem:v3+s6+$0x0] =	vst.idx.add.f32.msk $0x3, v2  }
0x57: {  	[spmem:s1] =	stream.linear.scatter [tilespmem:s6], [sflag:$0xD], $0x100, $0x38;
	[tilespmem:$0x10580] =	vst v63  }
0x58: {  	_ =	swait.ge [sflag:s20], $0x100  }
0x59: {  	s29 =	sld [smem:$0x7FC]  }
0x5a: {  	[sflag:s20] =	ssyncset.done $0x0;
	s21 =	rddreg [dreg:$0x10]  }
0x5b: {  	s15 =	sor.u32 $0x1C05, s22;
	[sflag:s20] =	ssyncadd.s32 $0xFFFFFF00;
	s1 =	sadd.s32 s14, s21  }
0x5c: {  	[hbm:s1@s7], [sflag:s15] =	dma.strided [spmem:s29@s4], $0x800, s2, $0x10   }
0x5d: {  	p0 =	seq.s32 s14, $0x0;
	s29 =	sand.u32 $0x1F, s9  }
0x5e: {  	s15 =	simm.s32 @!p0 $0x7;
	s11 =	sshll.u32 s29, $0x5  }
0x5f: {  	_ =	swait.ge @!p0 [sflag:s15], $0x800;
	s1 =	ssub.s32 s24, s11  }
0x60: {  	[sflag:s15] =	ssyncset.done @!p0 $0x0;
	s20 =	rddreg [dreg:$0x19];
	s11 =	sor.u32 $0x1C03, s22  }
0x61: {  	s1 =	sand.u32 $0xFFFFFC00, s1;
	s6 =	sadd.s32 s14, s20;
	s20 =	rddreg [dreg:$0x1c]  }
0x62: {  	[sflag:s15] =	ssyncadd.s32 @!p0 $0xFFFFF800;
	s21 =	sadd.s32 s1, s16;
	s1 =	sshrl.u32 s20, $0x3  }
0x63: {  	[spmem:s1@s4], [sflag:s11] =	dma.strided [hbm:s6@s7], $0x800, s2, $0x10   }
0x64: {  	s11 =	sadd.s32 s21, s23  }
0x65: {  	s6 =	sshrl.u32 s11, $0x3;
	s11 =	rddreg [dreg:$0xb]  }
0x66: {  	s20 =	simm.s32 $0x10200;
	s6 =	sadd.s32 s6, s11  }
0x67: {  	[tilespmem:s20], [sflag:$0xB] =	stream.linear.gather [hbm4b:s6+s10], $0x100, $0x38;
	[tilespmem:$0x10580] =	vst v63  }
0x68: {  	s15 =	sadd.s32 $0x2, s3;
	_ =	swait.ge [sflag:s2], $0x800  }
0x69: {  	v2 =	vadd.s32 s15, v0;
	[sflag:s2] =	ssyncset.done $0x0  }
0x6a: {  	s21 =	simm.s32 $0xA;
	[sflag:s2] =	ssyncadd.s32 $0xFFFFF800  }
0x6b: {  	_ =	swait.ge [sflag:s21], $0x100  }
0x6c: {  	[sflag:s21] =	ssyncset.done $0x0  }
0x6d: {  	s6 =	sand.u32 $0x7A, s15;
	[sflag:s21] =	ssyncadd.s32 $0xFFFFFF00  }
0x6e: {  	v3 =	vadd.s32 s6, v1;
	s21 =	sand.u32 $0x3F, s31;
	v2 =	vld.idx.msk [tilespmem:v2+s0+$0x0], $0xffff  }
0x6f: {  	s10 =	sshll.u32 s21, $0x2  }
0x70: {  	s6 =	ssub.s32 s13, s10  }
0x71: {  	s6 =	sand.u32 $0x7FFFFF00, s6  }
0x72: {  	s15 =	sadd.s32 s6, s5  }
0x73: {  	s11 =	simm.s32 $0xE;
	s6 =	sadd.s32 $0x4000, s15;
	[tilespmem:v3+s12+$0x0] =	vst.idx.add.f32.msk $0x3, v2  }
0x74: {  	[spmem:s6] =	stream.linear.scatter [tilespmem:s12], [sflag:$0xE], $0x100, $0x38;
	[tilespmem:$0x10580] =	vst v63  }
0x75: {  	_ =	swait.ge [sflag:s11], $0x100  }
0x76: {  	s10 =	sor.u32 $0x1C06, s22;
	[sflag:s11] =	ssyncset.done $0x0;
	s12 =	rddreg [dreg:$0x11]  }
0x77: {  	[sflag:s11] =	ssyncadd.s32 $0xFFFFFF00;
	s6 =	sadd.s32 s14, s12;
	s12 =	sshll.u32 s21, $0x4  }
0x78: {  	[hbm:s6@s7], [sflag:s10] =	dma.strided [spmem:s26@s4], $0x800, s2, $0x10   }
0x79: {  	s11 =	simm.s32 @!p0 $0x8;
	s6 =	ssub.s32 s24, s12  }
0x7a: {  	_ =	swait.ge @!p0 [sflag:s11], $0x800;
	s6 =	sand.u32 $0xFFFFFC00, s6  }
0x7b: {  	[sflag:s11] =	ssyncset.done @!p0 $0x0;
	s6 =	sadd.s32 s6, s16;
	s21 =	rddreg [dreg:$0x1a]  }
0x7c: {  	[sflag:s11] =	ssyncadd.s32 @!p0 $0xFFFFF800;
	s11 =	sadd.s32 s14, s21;
	s21 =	rddreg [dreg:$0x1d]  }
0x7d: {  	s10 =	sor.u32 $0x1C04, s22;
	s6 =	sadd.s32 s6, s23;
	s21 =	sshrl.u32 s21, $0x3  }
0x7e: {  	[spmem:s21@s4], [sflag:s10] =	dma.strided [hbm:s11@s7], $0x800, s2, $0x10   }
0x7f: {  	s6 =	sshrl.u32 s6, $0x3;
	s10 =	rddreg [dreg:$0xc]  }
0x80: {  	s12 =	simm.s32 $0x0;
	s11 =	simm.s32 $0x3;
	s6 =	sadd.s32 s6, s10  }
0x81: {  	[tilespmem:s18], [sflag:$0xC] =	stream.linear.gather [hbm4b:s6+s12], $0x100, $0x38;
	[tilespmem:$0x10580] =	vst v63  }
0x82: {  	s6 =	sadd.s32 $0x4, s3;
	_ =	swait.ge [sflag:s11], $0x800  }
0x83: {  	v2 =	vadd.s32 s6, v0;
	[sflag:s11] =	ssyncset.done $0x0  }
0x84: {  	[sflag:s11] =	ssyncadd.s32 $0xFFFFF800;
	s11 =	simm.s32 $0xB  }
0x85: {  	_ =	swait.ge [sflag:s11], $0x100  }
0x86: {  	[sflag:s11] =	ssyncset.done $0x0  }
0x87: {  	s6 =	sand.u32 $0x7C, s6;
	[sflag:s11] =	ssyncadd.s32 $0xFFFFFF00  }
0x88: {  	v3 =	vadd.s32 s6, v1;
	v2 =	vld.idx.msk [tilespmem:v2+s0+$0x0], $0xffff  }
0x89: {  	s10 =	sshll.u32 s29, $0x3  }
0x8a: {  	s6 =	ssub.s32 s13, s10  }
0x8b: {  	s6 =	sand.u32 $0x7FFFFF00, s6  }
0x8c: {  	s6 =	sadd.s32 s6, s5  }
0x8d: {  	s6 =	sadd.s32 $0x8000, s6;
	s11 =	simm.s32 $0xF;
	[tilespmem:v3+s20+$0x0] =	vst.idx.add.f32.msk $0x3, v2  }
0x8e: {  	[spmem:s6] =	stream.linear.scatter [tilespmem:s20], [sflag:$0xF], $0x100, $0x38;
	[tilespmem:$0x10580] =	vst v63  }
0x8f: {  	_ =	swait.ge [sflag:s11], $0x100  }
0x90: {  	p0 =	seq.s32 s14, $0x3E000;
	[sflag:s11] =	ssyncset.done $0x0;
	s20 =	rddreg [dreg:$0x17]  }
0x91: {  	s29 =	sor.u32 $0x1C07, s22;
	[sflag:s11] =	ssyncadd.s32 $0xFFFFFF00;
	s6 =	sadd.s32 s14, s20  }
0x92: {  	[hbm:s6@s7], [sflag:s29] =	dma.strided [spmem:s1@s4], $0x800, s2, $0x10   }
0x93: {  	s1 =	simm.s32 @!p0 $0x5  }
0x94: {  	_ =	swait.ge @!p0 [sflag:s1], $0x800  }
0x95: {  	s10 =	simm.s32 @!p0 $0x2;
	s11 =	simm.s32 @!p0 $0x20;
	[sflag:s1] =	ssyncset.done @!p0 $0x0  }
0x96: {  	s6 =	sshrl.u32 @!p0 s5, $0x3;
	[sflag:s1] =	ssyncadd.s32 @!p0 $0xFFFFF800;
	s1 =	rddreg [dreg:$0x16]  }
0x97: {  	s29 =	simm.s32 @!p0 $0x80;
	s20 =	rddreg [dreg:$0x1f];
	s1 =	sadd.s32 @!p0 s14, s1  }
0x98: {  	[spmem:s6@s11], [sflag:s20] =	dma.strided @!p0 [hbm:s1@s29], $0x800, s10, $0x10   }
0x99: {  	s11 =	sand.u32 $0xF, s28  }
0x9a: {  	s1 =	sshll.u32 s11, $0x6  }
0x9b: {  	s1 =	ssub.s32 s25, s1  }
0x9c: {  	s6 =	rddreg [dreg:$0x15];
	s1 =	sand.u32 $0xFFFFFC00, s1  }
0x9d: {  	s1 =	sadd.s32 s1, s6  }
0x9e: {  	s1 =	sadd.s32 @!p0 s1, s23  }
0x9f: {  	s10 =	simm.s32 @!p0 $0x10000;
	s6 =	rddreg [dreg:$0x0];
	s1 =	sshrl.u32 @!p0 s1, $0x3  }
0xa0: {  	s29 =	simm.s32 $0x4;
	s1 =	sadd.s32 @!p0 s6, s1;
	s6 =	simm.s32 @!p0 $0x0  }
0xa1: {  	[tilespmem:s10], [sflag:$0x9] =	stream.linear.gather @!p0 [hbm4b:s1+s6], $0x100, $0x38;
	[tilespmem:$0x10580] =	vst v63  }
0xa2: {  	s20 =	sadd.s32 $0x6, s3;
	_ =	swait.ge [sflag:s29], $0x800  }
0xa3: {  	v2 =	vadd.s32 s20, v0;
	[sflag:s29] =	ssyncset.done $0x0  }
0xa4: {  	s10 =	simm.s32 $0xC;
	[sflag:s29] =	ssyncadd.s32 $0xFFFFF800  }
0xa5: {  	_ =	swait.ge [sflag:s10], $0x100  }
0xa6: {  	[sflag:s10] =	ssyncset.done $0x0  }
0xa7: {  	s1 =	sand.u32 $0x7E, s20;
	[sflag:s10] =	ssyncadd.s32 $0xFFFFFF00  }
0xa8: {  	v3 =	vadd.s32 s1, v1;
	v2 =	vld.idx.msk [tilespmem:v2+s0+$0x0], $0xffff;
	_ =	sdelay $0x4  }
0xa9: {  	s11 =	sadd.s32 $0xC000, s15;
	[tilespmem:v3+s18+$0x0] =	vst.idx.add.f32.msk $0x3, v2  }
0xaa: {  	[spmem:s11] =	stream.linear.scatter [tilespmem:s18], [sflag:$0x10], $0x100, $0x38;
	[tilespmem:$0x10580] =	vst v63  }
.Ltmp2:
0xab: {  	s15 =	simm.s32 $0x10;
	(pc) =	sbr.rel @p0 .LBB2_4-.Ltmp2, $4  }
0xac: {  	_ =	swait.ge [sflag:s15], $0x100  }
0xad: {  	s19 =	simm.s32 $0x10000;
	[sflag:s15] =	ssyncset.done $0x0;
	s20 =	rddreg [dreg:$0x18]  }
0xae: {  	s29 =	sor.u32 $0x1C08, s22;
	[sflag:s15] =	ssyncadd.s32 $0xFFFFFF00;
	s1 =	sadd.s32 s14, s20  }
0xaf: {  	[hbm:s1@s7], [sflag:s29] =	dma.strided [spmem:s21@s4], $0x800, s2, $0x10   }
0xb0: {  	s1 =	sand.u32 $0x3F, s30  }
0xb1: {  	s10 =	simm.s32 $0x6;
	s13 =	sadd.s32 $0x10, s13;
	s9 =	sadd.s32 $0x2, s9  }
0xb2: {  	s24 =	sadd.s32 $0x40, s24;
	s3 =	sadd.s32 $0x8, s3;
	_ =	swait.ge [sflag:s10], $0x800  }
0xb3: {  	s8 =	sadd.s32 $0x1, s8;
	s1 =	sshll.u32 s1, $0x4;
	s6 =	rddreg [dreg:$0x13]  }
0xb4: {  	s31 =	sadd.s32 $0x4, s31;
	s1 =	ssub.s32 s25, s1;
	s29 =	sld [smem:$0x7FD]  }
0xb5: {  	[sflag:s10] =	ssyncset.done $0x0;
	s21 =	rddreg [dreg:$0x12];
	s1 =	sand.u32 $0xFFFFFC00, s1  }
0xb6: {  	[sflag:s10] =	ssyncadd.s32 $0xFFFFF800;
	s1 =	sadd.s32 s1, s6;
	s6 =	sadd.s32 s14, s21  }
0xb7: {  	[spmem:s26@s4], [sflag:s29] =	dma.strided [hbm:s6@s7], $0x800, s2, $0x10   }
.Ltmp3:
0xb8: {  	s30 =	sadd.s32 $0x4, s30;
	s1 =	sadd.s32 s1, s23;
	(pc) =	sbr.rel .LBB2_2-.Ltmp3, $4  }
0xb9: {  	s28 =	sadd.s32 $0x1, s28;
	s1 =	sshrl.u32 s1, $0x3;
	s6 =	rddreg [dreg:$0x6]  }
0xba: {  	s25 =	sadd.s32 $0x40, s25;
	s10 =	simm.s32 $0x0;
	s1 =	sadd.s32 s1, s6  }
0xbb: {  	[tilespmem:s17], [sflag:$0xA] =	stream.linear.gather [hbm4b:s1+s12], $0x100, $0x38;
	[tilespmem:$0x10580] =	vst v63  }
0xbc: {  	s14 =	sadd.s32 $0x2000, s14;
	s23 =	sadd.s32 $0x10000, s23;
	s12 =	simm.s32 $0x10100  }
.LBB2_5:
0xbd: {  	_ =	sfence.sel $0x180000  }
0xbe: {  	[bflag:$0x0] =	sbarrier.arrive $0xFFFF  }
0xbf: {  	_ =	strace $0x90000047  }
0xc0: {  	s0 =	stileid.u32;
	[bflag:$0x2] =	sbarrier.arrive $0xFFFF  }
0xc1: {  	p0 =	sne.s32 s0, $0x0;
	s0 =	rddreg [dreg:$0x4]  }
0xc2: {  	s0 =	sadd.s32 @!p0 $0x100000, s0  }
0xc3: {  	[sflag:s0] =	ssyncadd.tile.s32 @!p0 $0x1;
	_ =	shalt  }
.Lfunc_end2:
_tile_overlayer_lowered:
.L_overlay_start_2:
0xc4: {  	(tag) =	ssettag $0x2  }
0xc5: {  	s0 =	rddreg [dreg:$0x0];
	s2 =	stileid.u32  }
0xc6: {  	s1 =	rddreg [dreg:$0x1];
	p0 =	sne.s32 s2, $0x0  }
0xc7: {  	s3 =	rddreg [dreg:$0x2];
	[bflag:$0x3] =	sbarrier.arrive $0xFFFF;
	s2 =	simm.s32 @!p0 $0x1C11  }
0xc8: {  	[timem:s3], [sflag:s2] =	dma.local @!p0 [hbm:s0], s1  }
0xc9: {  	s0 =	simm.s32 @!p0 $0x11  }
0xca: {  	_ =	swait.ge @!p0 [sflag:s0], s1  }
0xcb: {  	s1 =	ssub.s32 @!p0 $0x0, s1;
	[sflag:s0] =	ssyncset.done @!p0 $0x0  }
0xcc: {  	[sflag:s0] =	ssyncadd.s32 @!p0 s1  }
0xcd: {  	[bflag:$0x3] =	sbarrier.arrive $0xFFFF  }
0xce: {  	_ =	shalt  }

</sc_bundles>
